<compile_context>
chip_gen: v7x
topology: tpu7x:2x2x1
jax: 0.10.2.dev20260603
libtpu: 0.0.44.dev20260713+nightly
codegen_flags: <defaults>
</compile_context>

<pallas_src>
import functools

import jax
import jax.numpy as jnp
from jax import lax
from jax.experimental import pallas as pl
from jax.experimental.pallas import tpu as pltpu
from jax.experimental.pallas import tpu_sc as plsc

_N = 10000
_E = 320000
_D = 128
_NP = _N + 16

_NC = 2
_NS = 16
_NW = _NC * _NS
_EPW = _E // _NW
_CHUNK = 128
_NCHUNK = 80
_EPWP = _NCHUNK * _CHUNK
_RPT = 1000
_NEXP = _N // _RPT

_mesh = plsc.VectorSubcoreMesh(core_axis_name="c", subcore_axis_name="s")


@functools.partial(
    pl.kernel,
    out_type=jax.ShapeDtypeStruct((_NW, _N * 8), jnp.float32),
    mesh=_mesh,
    scratch_types=[
        pltpu.VMEM((_EPW,), jnp.int32),
        pltpu.VMEM((_N * 8,), jnp.float32),
    ],
    compiler_params=pltpu.CompilerParams(needs_layout_passes=False),
)
def _deg_kernel(col_hbm, zeros_hbm, out_hbm, col_v, cnt_v):
    cid = lax.axis_index("c")
    sid = lax.axis_index("s")
    wid = cid * _NS + sid
    pltpu.sync_copy(col_hbm.at[wid], col_v)
    pltpu.sync_copy(zeros_hbm, cnt_v)

    lane = lax.broadcasted_iota(jnp.int32, (16,), 0)
    slot_base = (lane & 7) * _N
    lo = lane < 8
    ones = jnp.ones((16,), jnp.float32)

    def body(i, carry):
        c = col_v[pl.ds(i * 16, 16)]
        idx = slot_base + c
        plsc.addupdate_scatter(cnt_v, [idx], ones, mask=lo)
        plsc.addupdate_scatter(cnt_v, [idx], ones, mask=jnp.logical_not(lo))
        return carry

    lax.fori_loop(0, _EPW // 16, body, 0)
    pltpu.sync_copy(cnt_v, out_hbm.at[wid])


@functools.partial(
    pl.kernel,
    out_type=jax.ShapeDtypeStruct((_NC, _N, _D), jnp.float32),
    mesh=_mesh,
    scratch_types=[
        pltpu.VMEM((_NCHUNK, _CHUNK), jnp.int32),
        pltpu.VMEM((_NCHUNK, _CHUNK), jnp.int32),
        pltpu.VMEM((_CHUNK, _D), jnp.float32),
        pltpu.VMEM_SHARED((_NP, _D), jnp.float32),
        pltpu.SemaphoreType.DMA,
    ],
)
def _msg_kernel(g_hbm, row_hbm, col_hbm, zeros_hbm, out_hbm,
                col_v, row_v, buf, acc_sh, gsem):
    cid = lax.axis_index("c")
    sid = lax.axis_index("s")
    wid = cid * _NS + sid
    pltpu.sync_copy(col_hbm.at[wid], col_v)
    pltpu.sync_copy(row_hbm.at[wid], row_v)

    @pl.when(sid < _NEXP)
    def _zero():
        pltpu.sync_copy(zeros_hbm.at[pl.ds(sid * _RPT, _RPT)],
                        acc_sh.at[pl.ds(sid * _RPT, _RPT)])

    plsc.subcore_barrier()

    def body(jj, carry):
        pltpu.async_copy(g_hbm.at[row_v.at[jj]], buf, gsem).wait()
        pltpu.sync_copy(buf, acc_sh.at[col_v.at[jj]], add=True)
        return carry

    lax.fori_loop(0, _NCHUNK, body, 0)
    plsc.subcore_barrier()

    @pl.when(sid < _NEXP)
    def _export():
        pltpu.sync_copy(acc_sh.at[pl.ds(sid * _RPT, _RPT)],
                        out_hbm.at[cid, pl.ds(sid * _RPT, _RPT)])


_ROWS = 2000


def _p_body(parts_ref, p_ref):
    deg = 1.0 + jnp.sum(parts_ref[...], axis=(0, 1))
    p_ref[...] = lax.rsqrt(deg)[:, None]


def _gmm_body(p_ref, x_ref, w_ref, g_ref):
    g_ref[...] = p_ref[...] * jnp.dot(x_ref[...], w_ref[...],
                                      preferred_element_type=jnp.float32)


def _head_body(p_ref, acc_ref, g_ref, b_ref, w2_ref, b2_ref, y_ref):
    t = p_ref[...] * (acc_ref[0] + acc_ref[1] + g_ref[...]) + b_ref[...]
    t = jnp.maximum(t, 0.0)
    y_ref[...] = jnp.dot(t, w2_ref[...],
                         preferred_element_type=jnp.float32) + b2_ref[...]


def kernel(x, edge_index, edge_attr, W, b, W2, b2):
    del edge_attr
    row = edge_index[0].astype(jnp.int32).reshape(_NW, _EPW)
    col = edge_index[1].astype(jnp.int32).reshape(_NW, _EPW)
    tile_id = jnp.arange(_NW, dtype=jnp.int32) % _NS
    padblk = jnp.broadcast_to(tile_id[:, None], (_NW, _EPWP - _EPW))
    row_msg = jnp.concatenate([row, padblk], axis=1).reshape(
        _NW, _NCHUNK, _CHUNK)
    col_msg = jnp.concatenate([col, _N + padblk], axis=1).reshape(
        _NW, _NCHUNK, _CHUNK)
    zeros8 = jnp.zeros((_N * 8,), jnp.float32)
    zerosd = jnp.zeros((_N, _D), jnp.float32)

    deg_parts = _deg_kernel(col, zeros8).reshape(_NW, 8, _N)
    p = pl.pallas_call(
        _p_body,
        out_shape=jax.ShapeDtypeStruct((_N, 1), jnp.float32),
    )(deg_parts)

    g = pl.pallas_call(
        _gmm_body,
        grid=(_N // _ROWS,),
        in_specs=[
            pl.BlockSpec((_ROWS, 1), lambda i: (i, 0)),
            pl.BlockSpec((_ROWS, _D), lambda i: (i, 0)),
            pl.BlockSpec((_D, _D), lambda i: (0, 0)),
        ],
        out_specs=pl.BlockSpec((_ROWS, _D), lambda i: (i, 0)),
        out_shape=jax.ShapeDtypeStruct((_N, _D), jnp.float32),
    )(p, x, W)

    acc = _msg_kernel(g, row_msg, col_msg, zerosd)

    y = pl.pallas_call(
        _head_body,
        grid=(_N // _ROWS,),
        in_specs=[
            pl.BlockSpec((_ROWS, 1), lambda i: (i, 0)),
            pl.BlockSpec((_NC, _ROWS, _D), lambda i: (0, i, 0)),
            pl.BlockSpec((_ROWS, _D), lambda i: (i, 0)),
            pl.BlockSpec((_D,), lambda i: (0,)),
            pl.BlockSpec((_D, 1), lambda i: (0, 0)),
            pl.BlockSpec((1,), lambda i: (0,)),
        ],
        out_specs=pl.BlockSpec((_ROWS, 1), lambda i: (i, 0)),
        out_shape=jax.ShapeDtypeStruct((_N, 1), jnp.float32),
    )(p, acc, g, b, W2, b2)
    return y

# --- scband reference (transcript-rebuilt; emitter-appended) ---
"""Pipeline reference for scband-predictor-gcn-61529701482521 (READ-ONLY COPY).

The authoritative reference and input builder live on the scoring server;
editing this copy changes nothing except your own understanding.
"""

import jax, jax.numpy as jnp
import numpy as np

N = 10000
E = 320000
D_IN = 128
D_OUT = 128

def setup_inputs(seed: int = 0) -> dict:
    key = jax.random.key(seed)
    k1, k2, k3, k4, k5, k6 = jax.random.split(key, 6)
    x = jax.random.normal(k1, (N, D_IN), dtype=jnp.float32)
    edge_index = jax.random.randint(k2, (2, E), 0, N, dtype=jnp.int64)
    edge_attr = jax.random.normal(k3, (E, 4), dtype=jnp.float32)
    # GCNConv parameters (glorot-style scale)
    W = jax.random.normal(k4, (D_IN, D_OUT), dtype=jnp.float32) * (1.0 / np.sqrt(D_IN))
    b = jnp.zeros((D_OUT,), dtype=jnp.float32)
    # final linear layer out_channels -> 1
    W2 = jax.random.normal(k5, (D_OUT, 1), dtype=jnp.float32) * (1.0 / np.sqrt(D_OUT))
    b2 = jnp.zeros((1,), dtype=jnp.float32)
    return {"x": x, "edge_index": edge_index, "edge_attr": edge_attr,
            "W": W, "b": b, "W2": W2, "b2": b2}

def _gcn_conv(x, edge_index, W, b):
    n = x.shape[0]
    # add self loops
    loop = jnp.arange(n, dtype=edge_index.dtype)
    row = jnp.concatenate([edge_index[0], loop])
    col = jnp.concatenate([edge_index[1], loop])
    # symmetric normalization D^{-1/2} (A+I) D^{-1/2}
    ones = jnp.ones((row.shape[0],), dtype=x.dtype)
    deg = jnp.zeros((n,), dtype=x.dtype).at[col].add(ones)
    deg_inv_sqrt = jnp.where(deg > 0, jax.lax.rsqrt(jnp.maximum(deg, 1e-12)), 0.0)
    norm = deg_inv_sqrt[row] * deg_inv_sqrt[col]
    h = x @ W
    msgs = norm[:, None] * h[row]
    out = jnp.zeros((n, h.shape[1]), dtype=x.dtype).at[col].add(msgs)
    return out + b

def reference(x, edge_index, edge_attr, W, b, W2, b2):
    # edge_attr is carried by the data object but unused by GCNConv default
    h = _gcn_conv(x, edge_index, W, b)
    h = jax.nn.relu(h)
    return h @ W2 + b2

if __name__ == "__main__":
    import jax
    _d = setup_inputs()
    print(jax.jit(kernel)(*tuple(_d.values())))

</pallas_src>

<mosaic_0001>
#map = affine_map<(d0, d1) -> (0, 0)>
#map1 = affine_map<(d0, d1) -> (0)>
module attributes {stable_mosaic.version = 14 : i64} {
  func.func @_deg_kernel(%arg0: i32, %arg1: i32, %arg2: memref<32x10000xi32, #tpu.memory_space<hbm>>, %arg3: memref<80000xf32, #tpu.memory_space<hbm>>, %arg4: memref<32x80000xf32, #tpu.memory_space<hbm>>, %arg5: memref<10000xi32, #tpu.memory_space<vmem>>, %arg6: memref<80000xf32, #tpu.memory_space<vmem>>) attributes {dimension_semantics = [#tpu.dimension_semantics<core_parallel>, #tpu.dimension_semantics<subcore_parallel>], iteration_bounds = array<i64: 2, 16>, scalar_prefetch = 0 : i64, scratch_operands = 2 : i64, tpu.core_type = #tpu.core_type<sc_vector_subcore>, window_params = [{transform_indices = #map}, {transform_indices = #map1}, {transform_indices = #map}]} {
    %mul3A = arith.constant 16 : i32
    %mul3A_0 = arith.muli %arg0, %mul3A : i32
    %add3A = arith.addi %mul3A_0, %arg1 : i32
    "tpu.region"() ({
      %run_scoped3A = tpu.sem_alloc : memref<!tpu.dma_semaphore, #tpu.memory_space<semaphore_mem>>
      %dma_start3A = arith.constant 0 : i32
      %dma_start3A_14 = tpu.memref_slice %arg2[%add3A, %dma_start3A] : memref<32x10000xi32, #tpu.memory_space<hbm>> -> memref<1x10000xi32, #tpu.memory_space<hbm>>
      %dma_start3A_15 = tpu.memref_squeeze %dma_start3A_14 : memref<1x10000xi32, #tpu.memory_space<hbm>> -> memref<10000xi32, #tpu.memory_space<hbm>>
      %dma_start3A_16 = arith.constant 0 : i32
      %dma_start3A_17 = tpu.memref_slice %arg2[%add3A, %dma_start3A_16] : memref<32x10000xi32, #tpu.memory_space<hbm>> -> memref<1x10000xi32, #tpu.memory_space<hbm>>
      %dma_start3A_18 = tpu.memref_squeeze %dma_start3A_17 : memref<1x10000xi32, #tpu.memory_space<hbm>> -> memref<10000xi32, #tpu.memory_space<hbm>>
      tpu.enqueue_dma source(%dma_start3A_18 : memref<10000xi32, #tpu.memory_space<hbm>>) target(%arg5 : memref<10000xi32, #tpu.memory_space<vmem>>) target_semaphore(%run_scoped3A : memref<!tpu.dma_semaphore, #tpu.memory_space<semaphore_mem>>)
      %dma_wait3A = arith.constant 0 : i32
      %dma_wait3A_19 = tpu.memref_slice %arg2[%add3A, %dma_wait3A] : memref<32x10000xi32, #tpu.memory_space<hbm>> -> memref<1x10000xi32, #tpu.memory_space<hbm>>
      %dma_wait3A_20 = tpu.memref_squeeze %dma_wait3A_19 : memref<1x10000xi32, #tpu.memory_space<hbm>> -> memref<10000xi32, #tpu.memory_space<hbm>>
      %dma_wait3A_21 = arith.constant 0 : i32
      %dma_wait3A_22 = tpu.memref_slice %arg2[%add3A, %dma_wait3A_21] : memref<32x10000xi32, #tpu.memory_space<hbm>> -> memref<1x10000xi32, #tpu.memory_space<hbm>>
      %dma_wait3A_23 = tpu.memref_squeeze %dma_wait3A_22 : memref<1x10000xi32, #tpu.memory_space<hbm>> -> memref<10000xi32, #tpu.memory_space<hbm>>
      tpu.wait_dma2 semaphore(%run_scoped3A : memref<!tpu.dma_semaphore, #tpu.memory_space<semaphore_mem>>) src(%dma_wait3A_23 : memref<10000xi32, #tpu.memory_space<hbm>>) dst(%arg5 : memref<10000xi32, #tpu.memory_space<vmem>>)
      tpu.yield
    }) : () -> ()
    "tpu.region"() ({
      %run_scoped3A = tpu.sem_alloc : memref<!tpu.dma_semaphore, #tpu.memory_space<semaphore_mem>>
      tpu.enqueue_dma source(%arg3 : memref<80000xf32, #tpu.memory_space<hbm>>) target(%arg6 : memref<80000xf32, #tpu.memory_space<vmem>>) target_semaphore(%run_scoped3A : memref<!tpu.dma_semaphore, #tpu.memory_space<semaphore_mem>>)
      tpu.wait_dma2 semaphore(%run_scoped3A : memref<!tpu.dma_semaphore, #tpu.memory_space<semaphore_mem>>) src(%arg3 : memref<80000xf32, #tpu.memory_space<hbm>>) dst(%arg6 : memref<80000xf32, #tpu.memory_space<vmem>>)
      tpu.yield
    }) : () -> ()
    %iota3A = tpu.iota {dimensions = array<i32: 0>} : vector<16xi32>
    %and3A = arith.constant 7 : i32
    %and3A_1 = vector.broadcast %and3A : i32 to vector<16xi32>
    %and3A_2 = arith.andi %iota3A, %and3A_1 : vector<16xi32>
    %mul3A_3 = arith.constant 10000 : i32
    %mul3A_4 = vector.broadcast %mul3A_3 : i32 to vector<16xi32>
    %mul3A_5 = arith.muli %and3A_2, %mul3A_4 : vector<16xi32>
    %lt3A = arith.constant 8 : i32
    %lt3A_6 = vector.broadcast %lt3A : i32 to vector<16xi32>
    %lt3A_7 = arith.cmpi slt, %iota3A, %lt3A_6 : vector<16xi32>
    %broadcast_in_dim3A = arith.constant 1.000000e+00 : f32
    %broadcast_in_dim3A_8 = vector.broadcast %broadcast_in_dim3A : f32 to vector<16xf32>
    %scan3A = arith.constant 0 : i32
    %scan3A_9 = arith.constant 0 : i32
    %scan3A_10 = arith.constant 625 : i32
    %scan3A_11 = arith.addi %scan3A_9, %scan3A_10 : i32
    %scan3A_12 = arith.constant 1 : i32
    scf.for %scan3A_14 = %scan3A_9 to %scan3A_11 step %scan3A_12  : i32 {
      %mul3A_15 = arith.constant 16 : i32
      %mul3A_16 = arith.muli %scan3A_14, %mul3A_15 : i32
      %get3A = arith.index_cast %mul3A_16 : i32 to index
      %get3A_17 = tpu.vector_load %arg5[%get3A] {strides = array<i32>} : memref<10000xi32, #tpu.memory_space<vmem>>, vector<16xi32>,
      %add3A_18 = arith.addi %mul3A_5, %get3A_17 : vector<16xi32>
      tpu.vector_store_idx %arg6[%add3A_18], %broadcast_in_dim3A_8 masked %lt3A_7 {add = true} : memref<80000xf32, #tpu.memory_space<vmem>>[vector<16xi32>], vector<16xf32>, vector<16xi1>
      %not3A = arith.constant dense<true> : vector<16xi1>
      %not3A_19 = arith.xori %lt3A_7, %not3A : vector<16xi1>
      tpu.vector_store_idx %arg6[%add3A_18], %broadcast_in_dim3A_8 masked %not3A_19 {add = true} : memref<80000xf32, #tpu.memory_space<vmem>>[vector<16xi32>], vector<16xf32>, vector<16xi1>
    }
    %scan3A_13 = arith.constant 625 : i32
    "tpu.region"() ({
      %run_scoped3A = tpu.sem_alloc : memref<!tpu.dma_semaphore, #tpu.memory_space<semaphore_mem>>
      %dma_start3A = arith.constant 0 : i32
      %dma_start3A_14 = tpu.memref_slice %arg4[%add3A, %dma_start3A] : memref<32x80000xf32, #tpu.memory_space<hbm>> -> memref<1x80000xf32, #tpu.memory_space<hbm>>
      %dma_start3A_15 = tpu.memref_squeeze %dma_start3A_14 : memref<1x80000xf32, #tpu.memory_space<hbm>> -> memref<80000xf32, #tpu.memory_space<hbm>>
      %dma_start3A_16 = arith.constant 0 : i32
      %dma_start3A_17 = tpu.memref_slice %arg4[%add3A, %dma_start3A_16] : memref<32x80000xf32, #tpu.memory_space<hbm>> -> memref<1x80000xf32, #tpu.memory_space<hbm>>
      %dma_start3A_18 = tpu.memref_squeeze %dma_start3A_17 : memref<1x80000xf32, #tpu.memory_space<hbm>> -> memref<80000xf32, #tpu.memory_space<hbm>>
      tpu.enqueue_dma source(%arg6 : memref<80000xf32, #tpu.memory_space<vmem>>) target(%dma_start3A_18 : memref<80000xf32, #tpu.memory_space<hbm>>) target_semaphore(%run_scoped3A : memref<!tpu.dma_semaphore, #tpu.memory_space<semaphore_mem>>)
      %dma_wait3A = arith.constant 0 : i32
      %dma_wait3A_19 = tpu.memref_slice %arg4[%add3A, %dma_wait3A] : memref<32x80000xf32, #tpu.memory_space<hbm>> -> memref<1x80000xf32, #tpu.memory_space<hbm>>
      %dma_wait3A_20 = tpu.memref_squeeze %dma_wait3A_19 : memref<1x80000xf32, #tpu.memory_space<hbm>> -> memref<80000xf32, #tpu.memory_space<hbm>>
      %dma_wait3A_21 = arith.constant 0 : i32
      %dma_wait3A_22 = tpu.memref_slice %arg4[%add3A, %dma_wait3A_21] : memref<32x80000xf32, #tpu.memory_space<hbm>> -> memref<1x80000xf32, #tpu.memory_space<hbm>>
      %dma_wait3A_23 = tpu.memref_squeeze %dma_wait3A_22 : memref<1x80000xf32, #tpu.memory_space<hbm>> -> memref<80000xf32, #tpu.memory_space<hbm>>
      tpu.wait_dma2 semaphore(%run_scoped3A : memref<!tpu.dma_semaphore, #tpu.memory_space<semaphore_mem>>) src(%arg6 : memref<80000xf32, #tpu.memory_space<vmem>>) dst(%dma_wait3A_23 : memref<80000xf32, #tpu.memory_space<hbm>>)
      tpu.yield
    }) : () -> ()
    return
  }
}

#map = affine_map<(d0, d1) -> (0, 0)>
#map1 = affine_map<(d0, d1) -> (0, 0, 0)>
module attributes {stable_mosaic.version = 14 : i64} {
  func.func @_msg_kernel(%arg0: i32, %arg1: i32, %arg2: memref<10000x128xf32, #tpu.memory_space<hbm>>, %arg3: memref<32x80x128xi32, #tpu.memory_space<hbm>>, %arg4: memref<32x80x128xi32, #tpu.memory_space<hbm>>, %arg5: memref<10000x128xf32, #tpu.memory_space<hbm>>, %arg6: memref<2x10000x128xf32, #tpu.memory_space<hbm>>, %arg7: memref<80x128xi32, #tpu.memory_space<vmem>>, %arg8: memref<80x128xi32, #tpu.memory_space<vmem>>, %arg9: memref<128x128xf32, #tpu.memory_space<vmem>>, %arg10: memref<10016x128xf32, #tpu.memory_space<vmem_shared>>, %arg11: memref<!tpu.dma_semaphore, #tpu.memory_space<semaphore_mem>>) attributes {dimension_semantics = [#tpu.dimension_semantics<core_parallel>, #tpu.dimension_semantics<subcore_parallel>], iteration_bounds = array<i64: 2, 16>, scalar_prefetch = 0 : i64, scratch_operands = 5 : i64, tpu.core_type = #tpu.core_type<sc_vector_subcore>, window_params = [{transform_indices = #map}, {transform_indices = #map1}, {transform_indices = #map1}, {transform_indices = #map}, {transform_indices = #map1}]} {
    %mul3A = arith.constant 16 : i32
    %mul3A_0 = arith.muli %arg0, %mul3A : i32
    %add3A = arith.addi %mul3A_0, %arg1 : i32
    "tpu.region"() ({
      %run_scoped3A = tpu.sem_alloc : memref<!tpu.dma_semaphore, #tpu.memory_space<semaphore_mem>>
      %dma_start3A = arith.constant 0 : i32
      %dma_start3A_14 = arith.constant 0 : i32
      %dma_start3A_15 = tpu.memref_slice %arg4[%add3A, %dma_start3A, %dma_start3A_14] : memref<32x80x128xi32, #tpu.memory_space<hbm>> -> memref<1x80x128xi32, #tpu.memory_space<hbm>>
      %dma_start3A_16 = tpu.memref_squeeze %dma_start3A_15 : memref<1x80x128xi32, #tpu.memory_space<hbm>> -> memref<80x128xi32, #tpu.memory_space<hbm>>
      %dma_start3A_17 = arith.constant 0 : i32
      %dma_start3A_18 = arith.constant 0 : i32
      %dma_start3A_19 = tpu.memref_slice %arg4[%add3A, %dma_start3A_17, %dma_start3A_18] : memref<32x80x128xi32, #tpu.memory_space<hbm>> -> memref<1x80x128xi32, #tpu.memory_space<hbm>>
      %dma_start3A_20 = tpu.memref_squeeze %dma_start3A_19 : memref<1x80x128xi32, #tpu.memory_space<hbm>> -> memref<80x128xi32, #tpu.memory_space<hbm>>
      tpu.enqueue_dma source(%dma_start3A_20 : memref<80x128xi32, #tpu.memory_space<hbm>>) target(%arg7 : memref<80x128xi32, #tpu.memory_space<vmem>>) target_semaphore(%run_scoped3A : memref<!tpu.dma_semaphore, #tpu.memory_space<semaphore_mem>>)
      %dma_wait3A = arith.constant 0 : i32
      %dma_wait3A_21 = arith.constant 0 : i32
      %dma_wait3A_22 = tpu.memref_slice %arg4[%add3A, %dma_wait3A, %dma_wait3A_21] : memref<32x80x128xi32, #tpu.memory_space<hbm>> -> memref<1x80x128xi32, #tpu.memory_space<hbm>>
      %dma_wait3A_23 = tpu.memref_squeeze %dma_wait3A_22 : memref<1x80x128xi32, #tpu.memory_space<hbm>> -> memref<80x128xi32, #tpu.memory_space<hbm>>
      %dma_wait3A_24 = arith.constant 0 : i32
      %dma_wait3A_25 = arith.constant 0 : i32
      %dma_wait3A_26 = tpu.memref_slice %arg4[%add3A, %dma_wait3A_24, %dma_wait3A_25] : memref<32x80x128xi32, #tpu.memory_space<hbm>> -> memref<1x80x128xi32, #tpu.memory_space<hbm>>
      %dma_wait3A_27 = tpu.memref_squeeze %dma_wait3A_26 : memref<1x80x128xi32, #tpu.memory_space<hbm>> -> memref<80x128xi32, #tpu.memory_space<hbm>>
      tpu.wait_dma2 semaphore(%run_scoped3A : memref<!tpu.dma_semaphore, #tpu.memory_space<semaphore_mem>>) src(%dma_wait3A_27 : memref<80x128xi32, #tpu.memory_space<hbm>>) dst(%arg7 : memref<80x128xi32, #tpu.memory_space<vmem>>)
      tpu.yield
    }) : () -> ()
    "tpu.region"() ({
      %run_scoped3A = tpu.sem_alloc : memref<!tpu.dma_semaphore, #tpu.memory_space<semaphore_mem>>
      %dma_start3A = arith.constant 0 : i32
      %dma_start3A_14 = arith.constant 0 : i32
      %dma_start3A_15 = tpu.memref_slice %arg3[%add3A, %dma_start3A, %dma_start3A_14] : memref<32x80x128xi32, #tpu.memory_space<hbm>> -> memref<1x80x128xi32, #tpu.memory_space<hbm>>
      %dma_start3A_16 = tpu.memref_squeeze %dma_start3A_15 : memref<1x80x128xi32, #tpu.memory_space<hbm>> -> memref<80x128xi32, #tpu.memory_space<hbm>>
      %dma_start3A_17 = arith.constant 0 : i32
      %dma_start3A_18 = arith.constant 0 : i32
      %dma_start3A_19 = tpu.memref_slice %arg3[%add3A, %dma_start3A_17, %dma_start3A_18] : memref<32x80x128xi32, #tpu.memory_space<hbm>> -> memref<1x80x128xi32, #tpu.memory_space<hbm>>
      %dma_start3A_20 = tpu.memref_squeeze %dma_start3A_19 : memref<1x80x128xi32, #tpu.memory_space<hbm>> -> memref<80x128xi32, #tpu.memory_space<hbm>>
      tpu.enqueue_dma source(%dma_start3A_20 : memref<80x128xi32, #tpu.memory_space<hbm>>) target(%arg8 : memref<80x128xi32, #tpu.memory_space<vmem>>) target_semaphore(%run_scoped3A : memref<!tpu.dma_semaphore, #tpu.memory_space<semaphore_mem>>)
      %dma_wait3A = arith.constant 0 : i32
      %dma_wait3A_21 = arith.constant 0 : i32
      %dma_wait3A_22 = tpu.memref_slice %arg3[%add3A, %dma_wait3A, %dma_wait3A_21] : memref<32x80x128xi32, #tpu.memory_space<hbm>> -> memref<1x80x128xi32, #tpu.memory_space<hbm>>
      %dma_wait3A_23 = tpu.memref_squeeze %dma_wait3A_22 : memref<1x80x128xi32, #tpu.memory_space<hbm>> -> memref<80x128xi32, #tpu.memory_space<hbm>>
      %dma_wait3A_24 = arith.constant 0 : i32
      %dma_wait3A_25 = arith.constant 0 : i32
      %dma_wait3A_26 = tpu.memref_slice %arg3[%add3A, %dma_wait3A_24, %dma_wait3A_25] : memref<32x80x128xi32, #tpu.memory_space<hbm>> -> memref<1x80x128xi32, #tpu.memory_space<hbm>>
      %dma_wait3A_27 = tpu.memref_squeeze %dma_wait3A_26 : memref<1x80x128xi32, #tpu.memory_space<hbm>> -> memref<80x128xi32, #tpu.memory_space<hbm>>
      tpu.wait_dma2 semaphore(%run_scoped3A : memref<!tpu.dma_semaphore, #tpu.memory_space<semaphore_mem>>) src(%dma_wait3A_27 : memref<80x128xi32, #tpu.memory_space<hbm>>) dst(%arg8 : memref<80x128xi32, #tpu.memory_space<vmem>>)
      tpu.yield
    }) : () -> ()
    %lt3A = arith.constant 10 : i32
    %lt3A_1 = arith.cmpi slt, %arg1, %lt3A : i32
    %convert_element_type3A = arith.extui %lt3A_1 : i1 to i32
    %cond3A = arith.constant 0 : i32
    %cond3A_2 = arith.cmpi ne, %convert_element_type3A, %cond3A : i32
    scf.if %cond3A_2 {
      %mul3A_14 = arith.constant 1000 : i32
      %mul3A_15 = arith.muli %arg1, %mul3A_14 : i32
      %mul3A_16 = arith.constant 1000 : i32
      %mul3A_17 = arith.muli %arg1, %mul3A_16 : i32
      "tpu.region"() ({
        %run_scoped3A = tpu.sem_alloc : memref<!tpu.dma_semaphore, #tpu.memory_space<semaphore_mem>>
        %dma_start3A = arith.constant 0 : i32
        %dma_start3A_18 = tpu.memref_slice %arg10[%mul3A_17, %dma_start3A] : memref<10016x128xf32, #tpu.memory_space<vmem_shared>> -> memref<1000x128xf32, #tpu.memory_space<vmem_shared>>
        %dma_start3A_19 = arith.constant 0 : i32
        %dma_start3A_20 = tpu.memref_slice %arg5[%mul3A_15, %dma_start3A_19] : memref<10000x128xf32, #tpu.memory_space<hbm>> -> memref<1000x128xf32, #tpu.memory_space<hbm>>
        tpu.enqueue_dma source(%dma_start3A_20 : memref<1000x128xf32, #tpu.memory_space<hbm>>) target(%dma_start3A_18 : memref<1000x128xf32, #tpu.memory_space<vmem_shared>>) target_semaphore(%run_scoped3A : memref<!tpu.dma_semaphore, #tpu.memory_space<semaphore_mem>>)
        %dma_wait3A = arith.constant 0 : i32
        %dma_wait3A_21 = tpu.memref_slice %arg10[%mul3A_17, %dma_wait3A] : memref<10016x128xf32, #tpu.memory_space<vmem_shared>> -> memref<1000x128xf32, #tpu.memory_space<vmem_shared>>
        %dma_wait3A_22 = arith.constant 0 : i32
        %dma_wait3A_23 = tpu.memref_slice %arg5[%mul3A_15, %dma_wait3A_22] : memref<10000x128xf32, #tpu.memory_space<hbm>> -> memref<1000x128xf32, #tpu.memory_space<hbm>>
        tpu.wait_dma2 semaphore(%run_scoped3A : memref<!tpu.dma_semaphore, #tpu.memory_space<semaphore_mem>>) src(%dma_wait3A_23 : memref<1000x128xf32, #tpu.memory_space<hbm>>) dst(%dma_wait3A_21 : memref<1000x128xf32, #tpu.memory_space<vmem_shared>>)
        tpu.yield
      }) : () -> ()
    } else {
    }
    %barrier3A = arith.constant 0 : index
    tpu.barrier barrier_id(%barrier3A)
    %scan3A = arith.constant 0 : i32
    %scan3A_3 = arith.constant 0 : i32
    %scan3A_4 = arith.constant 80 : i32
    %scan3A_5 = arith.addi %scan3A_3, %scan3A_4 : i32
    %scan3A_6 = arith.constant 1 : i32
    scf.for %scan3A_14 = %scan3A_3 to %scan3A_5 step %scan3A_6  : i32 {
      %dma_start3A = arith.constant 0 : i32
      %dma_start3A_15 = tpu.memref_slice %arg8[%scan3A_14, %dma_start3A] : memref<80x128xi32, #tpu.memory_space<vmem>> -> memref<1x128xi32, #tpu.memory_space<vmem>>
      %dma_start3A_16 = tpu.memref_squeeze %dma_start3A_15 : memref<1x128xi32, #tpu.memory_space<vmem>> -> memref<128xi32, #tpu.memory_space<vmem>>
      %dma_start3A_17 = arith.constant 0 : i32
      %dma_start3A_18 = arith.constant 0 : i32
      %dma_start3A_19 = tpu.memref_slice %arg2[%dma_start3A_17, %dma_start3A_18] : memref<10000x128xf32, #tpu.memory_space<hbm>> -> memref<10000x128xf32, #tpu.memory_space<hbm>>
      tpu.enqueue_indirect_dma source(%dma_start3A_19 : memref<10000x128xf32, #tpu.memory_space<hbm>>) target(%arg9 : memref<128x128xf32, #tpu.memory_space<vmem>>) offsets(%dma_start3A_16 : memref<128xi32, #tpu.memory_space<vmem>>) semaphore(%arg11 : memref<!tpu.dma_semaphore, #tpu.memory_space<semaphore_mem>>)
      %dma_wait3A = arith.constant 0 : i32
      %dma_wait3A_20 = tpu.memref_slice %arg8[%scan3A_14, %dma_wait3A] : memref<80x128xi32, #tpu.memory_space<vmem>> -> memref<1x128xi32, #tpu.memory_space<vmem>>
      %dma_wait3A_21 = tpu.memref_squeeze %dma_wait3A_20 : memref<1x128xi32, #tpu.memory_space<vmem>> -> memref<128xi32, #tpu.memory_space<vmem>>
      %dma_wait3A_22 = arith.constant 0 : i32
      %dma_wait3A_23 = arith.constant 0 : i32
      %dma_wait3A_24 = tpu.memref_slice %arg2[%dma_wait3A_22, %dma_wait3A_23] : memref<10000x128xf32, #tpu.memory_space<hbm>> -> memref<10000x128xf32, #tpu.memory_space<hbm>>
      tpu.wait_indirect_dma semaphore(%arg11 : memref<!tpu.dma_semaphore, #tpu.memory_space<semaphore_mem>>) src(%dma_wait3A_24 : memref<10000x128xf32, #tpu.memory_space<hbm>>) dst(%arg9 : memref<128x128xf32, #tpu.memory_space<vmem>>)
      "tpu.region"() ({
        %run_scoped3A = tpu.sem_alloc : memref<!tpu.dma_semaphore, #tpu.memory_space<semaphore_mem>>
        %dma_start3A_25 = arith.constant 0 : i32
        %dma_start3A_26 = tpu.memref_slice %arg7[%scan3A_14, %dma_start3A_25] : memref<80x128xi32, #tpu.memory_space<vmem>> -> memref<1x128xi32, #tpu.memory_space<vmem>>
        %dma_start3A_27 = tpu.memref_squeeze %dma_start3A_26 : memref<1x128xi32, #tpu.memory_space<vmem>> -> memref<128xi32, #tpu.memory_space<vmem>>
        %dma_start3A_28 = arith.constant 0 : i32
        %dma_start3A_29 = arith.constant 0 : i32
        %dma_start3A_30 = tpu.memref_slice %arg10[%dma_start3A_28, %dma_start3A_29] : memref<10016x128xf32, #tpu.memory_space<vmem_shared>> -> memref<10016x128xf32, #tpu.memory_space<vmem_shared>>
        tpu.enqueue_indirect_dma source(%arg9 : memref<128x128xf32, #tpu.memory_space<vmem>>) target(%dma_start3A_30 : memref<10016x128xf32, #tpu.memory_space<vmem_shared>>) offsets(%dma_start3A_27 : memref<128xi32, #tpu.memory_space<vmem>>) semaphore(%run_scoped3A : memref<!tpu.dma_semaphore, #tpu.memory_space<semaphore_mem>>) {add = true}
        %dma_wait3A_31 = arith.constant 0 : i32
        %dma_wait3A_32 = tpu.memref_slice %arg7[%scan3A_14, %dma_wait3A_31] : memref<80x128xi32, #tpu.memory_space<vmem>> -> memref<1x128xi32, #tpu.memory_space<vmem>>
        %dma_wait3A_33 = tpu.memref_squeeze %dma_wait3A_32 : memref<1x128xi32, #tpu.memory_space<vmem>> -> memref<128xi32, #tpu.memory_space<vmem>>
        %dma_wait3A_34 = arith.constant 0 : i32
        %dma_wait3A_35 = arith.constant 0 : i32
        %dma_wait3A_36 = tpu.memref_slice %arg10[%dma_wait3A_34, %dma_wait3A_35] : memref<10016x128xf32, #tpu.memory_space<vmem_shared>> -> memref<10016x128xf32, #tpu.memory_space<vmem_shared>>
        tpu.wait_indirect_dma semaphore(%run_scoped3A : memref<!tpu.dma_semaphore, #tpu.memory_space<semaphore_mem>>) src(%arg9 : memref<128x128xf32, #tpu.memory_space<vmem>>) dst(%dma_wait3A_36 : memref<10016x128xf32, #tpu.memory_space<vmem_shared>>)
        tpu.yield
      }) : () -> ()
    }
    %scan3A_7 = arith.constant 80 : i32
    %barrier3A_8 = arith.constant 0 : index
    tpu.barrier barrier_id(%barrier3A_8)
    %lt3A_9 = arith.constant 10 : i32
    %lt3A_10 = arith.cmpi slt, %arg1, %lt3A_9 : i32
    %convert_element_type3A_11 = arith.extui %lt3A_10 : i1 to i32
    %cond3A_12 = arith.constant 0 : i32
    %cond3A_13 = arith.cmpi ne, %convert_element_type3A_11, %cond3A_12 : i32
    scf.if %cond3A_13 {
      %mul3A_14 = arith.constant 1000 : i32
      %mul3A_15 = arith.muli %arg1, %mul3A_14 : i32
      %mul3A_16 = arith.constant 1000 : i32
      %mul3A_17 = arith.muli %arg1, %mul3A_16 : i32
      "tpu.region"() ({
        %run_scoped3A = tpu.sem_alloc : memref<!tpu.dma_semaphore, #tpu.memory_space<semaphore_mem>>
        %dma_start3A = arith.constant 0 : i32
        %dma_start3A_18 = tpu.memref_slice %arg6[%arg0, %mul3A_17, %dma_start3A] : memref<2x10000x128xf32, #tpu.memory_space<hbm>> -> memref<1x1000x128xf32, #tpu.memory_space<hbm>>
        %dma_start3A_19 = tpu.memref_squeeze %dma_start3A_18 : memref<1x1000x128xf32, #tpu.memory_space<hbm>> -> memref<1000x128xf32, #tpu.memory_space<hbm>>
        %dma_start3A_20 = arith.constant 0 : i32
        %dma_start3A_21 = tpu.memref_slice %arg10[%mul3A_15, %dma_start3A_20] : memref<10016x128xf32, #tpu.memory_space<vmem_shared>> -> memref<1000x128xf32, #tpu.memory_space<vmem_shared>>
        tpu.enqueue_dma source(%dma_start3A_21 : memref<1000x128xf32, #tpu.memory_space<vmem_shared>>) target(%dma_start3A_19 : memref<1000x128xf32, #tpu.memory_space<hbm>>) target_semaphore(%run_scoped3A : memref<!tpu.dma_semaphore, #tpu.memory_space<semaphore_mem>>)
        %dma_wait3A = arith.constant 0 : i32
        %dma_wait3A_22 = tpu.memref_slice %arg6[%arg0, %mul3A_17, %dma_wait3A] : memref<2x10000x128xf32, #tpu.memory_space<hbm>> -> memref<1x1000x128xf32, #tpu.memory_space<hbm>>
        %dma_wait3A_23 = tpu.memref_squeeze %dma_wait3A_22 : memref<1x1000x128xf32, #tpu.memory_space<hbm>> -> memref<1000x128xf32, #tpu.memory_space<hbm>>
        %dma_wait3A_24 = arith.constant 0 : i32
        %dma_wait3A_25 = tpu.memref_slice %arg10[%mul3A_15, %dma_wait3A_24] : memref<10016x128xf32, #tpu.memory_space<vmem_shared>> -> memref<1000x128xf32, #tpu.memory_space<vmem_shared>>
        tpu.wait_dma2 semaphore(%run_scoped3A : memref<!tpu.dma_semaphore, #tpu.memory_space<semaphore_mem>>) src(%dma_wait3A_25 : memref<1000x128xf32, #tpu.memory_space<vmem_shared>>) dst(%dma_wait3A_23 : memref<1000x128xf32, #tpu.memory_space<hbm>>)
        tpu.yield
      }) : () -> ()
    } else {
    }
    return
  }
}

module attributes {stable_mosaic.version = 14 : i64} {
  func.func @_p_body(%arg0: memref<32x8x10000xf32, #tpu.memory_space<vmem>>, %arg1: memref<10000x1xf32, #tpu.memory_space<vmem>>) attributes {dimension_semantics = [], scalar_prefetch = 0 : i64, scratch_operands = 0 : i64, tpu.core_type = #tpu.core_type<tc>} {
    %get3A = arith.constant 0 : index
    %get3A_0 = arith.constant 0 : index
    %get3A_1 = arith.constant 0 : index
    %get3A_2 = vector.load %arg0[%get3A, %get3A_0, %get3A_1] : memref<32x8x10000xf32, #tpu.memory_space<vmem>>, vector<32x8x10000xf32>
    %reduce_sum3A = arith.constant dense<0.000000e+00> : vector<10000xf32>
    %reduce_sum3A_3 = vector.multi_reduction <add>, %get3A_2, %reduce_sum3A [0, 1] : vector<32x8x10000xf32> to vector<10000xf32>
    %add3A = arith.constant 1.000000e+00 : f32
    %add3A_4 = vector.broadcast %add3A : f32 to vector<10000xf32>
    %add3A_5 = arith.addf %add3A_4, %reduce_sum3A_3 : vector<10000xf32>
    %rsqrt3A = math.rsqrt %add3A_5 : vector<10000xf32>
    %broadcast_in_dim3A = vector.shape_cast %rsqrt3A : vector<10000xf32> to vector<10000x1xf32>
    %swap3A = arith.constant 0 : index
    %swap3A_6 = arith.constant 0 : index
    %swap3A_7 = vector.load %arg1[%swap3A, %swap3A_6] : memref<10000x1xf32, #tpu.memory_space<vmem>>, vector<10000x1xf32>
    tpu.vector_store %arg1[%swap3A, %swap3A_6], %broadcast_in_dim3A {strides = array<i32>} : memref<10000x1xf32, #tpu.memory_space<vmem>>, vector<10000x1xf32>,
    return
  }
}

module attributes {stable_mosaic.version = 14 : i64} {
  func.func @_gmm_body(%arg0: i32, %arg1: memref<2000x1xf32, #tpu.memory_space<vmem>>, %arg2: memref<2000x128xf32, #tpu.memory_space<vmem>>, %arg3: memref<128x128xf32, #tpu.memory_space<vmem>>, %arg4: memref<2000x128xf32, #tpu.memory_space<vmem>>) attributes {dimension_semantics = [#tpu.dimension_semantics<arbitrary>], iteration_bounds = array<i64: 5>, scalar_prefetch = 0 : i64, scratch_operands = 0 : i64, tpu.core_type = #tpu.core_type<tc>, window_params = [{transform_indices = @transform_0, window_bounds = array<i64: 2000, 1>}, {transform_indices = @transform_1, window_bounds = array<i64: 2000, 128>}, {pipeline_mode = #tpu.pipeline_mode<synchronous>, transform_indices = @transform_2, window_bounds = array<i64: 128, 128>}, {transform_indices = @transform_3, window_bounds = array<i64: 2000, 128>}]} {
    %get3A = arith.constant 0 : index
    %get3A_0 = arith.constant 0 : index
    %get3A_1 = vector.load %arg1[%get3A, %get3A_0] : memref<2000x1xf32, #tpu.memory_space<vmem>>, vector<2000x1xf32>
    %get3A_2 = arith.constant 0 : index
    %get3A_3 = arith.constant 0 : index
    %get3A_4 = vector.load %arg2[%get3A_2, %get3A_3] : memref<2000x128xf32, #tpu.memory_space<vmem>>, vector<2000x128xf32>
    %get3A_5 = arith.constant 0 : index
    %get3A_6 = arith.constant 0 : index
    %get3A_7 = vector.load %arg3[%get3A_5, %get3A_6] : memref<128x128xf32, #tpu.memory_space<vmem>>, vector<128x128xf32>
    %dot_general3A = arith.constant dense<0.000000e+00> : vector<2000x128xf32>
    %dot_general3A_8 = tpu.matmul %get3A_4, %get3A_7, %dot_general3A {dimension_numbers = #tpu.dot_dimension_numbers<[1], [0], [0], [1], [0, 0, 1, 1], [], []>, transpose_lhs_hint = false} : vector<2000x128xf32>, vector<128x128xf32>, vector<2000x128xf32> -> vector<2000x128xf32>
    %mul3A = vector.broadcast %get3A_1 : vector<2000x1xf32> to vector<2000x128xf32>
    %mul3A_9 = arith.mulf %mul3A, %dot_general3A_8 : vector<2000x128xf32>
    %swap3A = arith.constant 0 : index
    %swap3A_10 = arith.constant 0 : index
    %swap3A_11 = vector.load %arg4[%swap3A, %swap3A_10] : memref<2000x128xf32, #tpu.memory_space<vmem>>, vector<2000x128xf32>
    tpu.vector_store %arg4[%swap3A, %swap3A_10], %mul3A_9 {strides = array<i32>} : memref<2000x128xf32, #tpu.memory_space<vmem>>, vector<2000x128xf32>,
    return
  }
  func.func @transform_0(%arg0: i32) -> (i32, i32) {
    %c0_i32 = arith.constant 0 : i32
    %c0_i32_0 = arith.constant 0 : i32
    return %arg0, %c0_i32 : i32, i32
  }
  func.func @transform_1(%arg0: i32) -> (i32, i32) {
    %c0_i32 = arith.constant 0 : i32
    %c0_i32_0 = arith.constant 0 : i32
    return %arg0, %c0_i32 : i32, i32
  }
  func.func @transform_2(%arg0: i32) -> (i32, i32) {
    %c0_i32 = arith.constant 0 : i32
    %c0_i32_0 = arith.constant 0 : i32
    %c0_i32_1 = arith.constant 0 : i32
    return %c0_i32, %c0_i32_0 : i32, i32
  }
  func.func @transform_3(%arg0: i32) -> (i32, i32) {
    %c0_i32 = arith.constant 0 : i32
    %c0_i32_0 = arith.constant 0 : i32
    return %arg0, %c0_i32 : i32, i32
  }
}

module attributes {stable_mosaic.version = 14 : i64} {
  func.func @_head_body(%arg0: i32, %arg1: memref<2000x1xf32, #tpu.memory_space<vmem>>, %arg2: memref<2x2000x128xf32, #tpu.memory_space<vmem>>, %arg3: memref<2000x128xf32, #tpu.memory_space<vmem>>, %arg4: memref<128xf32, #tpu.memory_space<vmem>>, %arg5: memref<128x1xf32, #tpu.memory_space<vmem>>, %arg6: memref<1xf32, #tpu.memory_space<vmem>>, %arg7: memref<2000x1xf32, #tpu.memory_space<vmem>>) attributes {dimension_semantics = [#tpu.dimension_semantics<arbitrary>], iteration_bounds = array<i64: 5>, scalar_prefetch = 0 : i64, scratch_operands = 0 : i64, tpu.core_type = #tpu.core_type<tc>, window_params = [{transform_indices = @transform_0, window_bounds = array<i64: 2000, 1>}, {transform_indices = @transform_1, window_bounds = array<i64: 2, 2000, 128>}, {transform_indices = @transform_2, window_bounds = array<i64: 2000, 128>}, {pipeline_mode = #tpu.pipeline_mode<synchronous>, transform_indices = @transform_3, window_bounds = array<i64: 128>}, {pipeline_mode = #tpu.pipeline_mode<synchronous>, transform_indices = @transform_4, window_bounds = array<i64: 128, 1>}, {pipeline_mode = #tpu.pipeline_mode<synchronous>, transform_indices = @transform_5, window_bounds = array<i64: 1>}, {transform_indices = @transform_6, window_bounds = array<i64: 2000, 1>}]} {
    %get3A = arith.constant 0 : index
    %get3A_0 = arith.constant 0 : index
    %get3A_1 = vector.load %arg1[%get3A, %get3A_0] : memref<2000x1xf32, #tpu.memory_space<vmem>>, vector<2000x1xf32>
    %get3A_2 = arith.constant 0 : index
    %get3A_3 = arith.constant 0 : index
    %get3A_4 = arith.constant 0 : index
    %get3A_5 = vector.load %arg2[%get3A_2, %get3A_3, %get3A_4] : memref<2x2000x128xf32, #tpu.memory_space<vmem>>, vector<1x2000x128xf32>
    %get3A_6 = vector.shape_cast %get3A_5 : vector<1x2000x128xf32> to vector<2000x128xf32>
    %get3A_7 = arith.constant 1 : index
    %get3A_8 = arith.constant 0 : index
    %get3A_9 = arith.constant 0 : index
    %get3A_10 = vector.load %arg2[%get3A_7, %get3A_8, %get3A_9] : memref<2x2000x128xf32, #tpu.memory_space<vmem>>, vector<1x2000x128xf32>
    %get3A_11 = vector.shape_cast %get3A_10 : vector<1x2000x128xf32> to vector<2000x128xf32>
    %add3A = arith.addf %get3A_6, %get3A_11 : vector<2000x128xf32>
    %get3A_12 = arith.constant 0 : index
    %get3A_13 = arith.constant 0 : index
    %get3A_14 = vector.load %arg3[%get3A_12, %get3A_13] : memref<2000x128xf32, #tpu.memory_space<vmem>>, vector<2000x128xf32>
    %add3A_15 = arith.addf %add3A, %get3A_14 : vector<2000x128xf32>
    %mul3A = vector.broadcast %get3A_1 : vector<2000x1xf32> to vector<2000x128xf32>
    %mul3A_16 = arith.mulf %mul3A, %add3A_15 : vector<2000x128xf32>
    %get3A_17 = arith.constant 0 : index
    %get3A_18 = vector.load %arg4[%get3A_17] : memref<128xf32, #tpu.memory_space<vmem>>, vector<128xf32>
    %broadcast_in_dim3A = vector.shape_cast %get3A_18 : vector<128xf32> to vector<1x128xf32>
    %add3A_19 = vector.broadcast %broadcast_in_dim3A : vector<1x128xf32> to vector<2000x128xf32>
    %add3A_20 = arith.addf %mul3A_16, %add3A_19 : vector<2000x128xf32>
    %max3A = arith.constant 0.000000e+00 : f32
    %max3A_21 = vector.broadcast %max3A : f32 to vector<2000x128xf32>
    %max3A_22 = arith.maximumf %add3A_20, %max3A_21 : vector<2000x128xf32>
    %get3A_23 = arith.constant 0 : index
    %get3A_24 = arith.constant 0 : index
    %get3A_25 = vector.load %arg5[%get3A_23, %get3A_24] : memref<128x1xf32, #tpu.memory_space<vmem>>, vector<128x1xf32>
    %dot_general3A = arith.constant dense<0.000000e+00> : vector<2000x1xf32>
    %dot_general3A_26 = tpu.matmul %max3A_22, %get3A_25, %dot_general3A {dimension_numbers = #tpu.dot_dimension_numbers<[1], [0], [0], [1], [0, 0, 1, 1], [], []>, transpose_lhs_hint = false} : vector<2000x128xf32>, vector<128x1xf32>, vector<2000x1xf32> -> vector<2000x1xf32>
    %get3A_27 = arith.constant 0 : index
    %get3A_28 = vector.load %arg6[%get3A_27] : memref<1xf32, #tpu.memory_space<vmem>>, vector<1xf32>
    %broadcast_in_dim3A_29 = vector.shape_cast %get3A_28 : vector<1xf32> to vector<1x1xf32>
    %add3A_30 = vector.broadcast %broadcast_in_dim3A_29 : vector<1x1xf32> to vector<2000x1xf32>
    %add3A_31 = arith.addf %dot_general3A_26, %add3A_30 : vector<2000x1xf32>
    %swap3A = arith.constant 0 : index
    %swap3A_32 = arith.constant 0 : index
    %swap3A_33 = vector.load %arg7[%swap3A, %swap3A_32] : memref<2000x1xf32, #tpu.memory_space<vmem>>, vector<2000x1xf32>
    tpu.vector_store %arg7[%swap3A, %swap3A_32], %add3A_31 {strides = array<i32>} : memref<2000x1xf32, #tpu.memory_space<vmem>>, vector<2000x1xf32>,
    return
  }
  func.func @transform_0(%arg0: i32) -> (i32, i32) {
    %c0_i32 = arith.constant 0 : i32
    %c0_i32_0 = arith.constant 0 : i32
    return %arg0, %c0_i32 : i32, i32
  }
  func.func @transform_1(%arg0: i32) -> (i32, i32, i32) {
    %c0_i32 = arith.constant 0 : i32
    %c0_i32_0 = arith.constant 0 : i32
    %c0_i32_1 = arith.constant 0 : i32
    return %c0_i32, %arg0, %c0_i32_0 : i32, i32, i32
  }
  func.func @transform_2(%arg0: i32) -> (i32, i32) {
    %c0_i32 = arith.constant 0 : i32
    %c0_i32_0 = arith.constant 0 : i32
    return %arg0, %c0_i32 : i32, i32
  }
  func.func @transform_3(%arg0: i32) -> i32 {
    %c0_i32 = arith.constant 0 : i32
    %c0_i32_0 = arith.constant 0 : i32
    return %c0_i32 : i32
  }
  func.func @transform_4(%arg0: i32) -> (i32, i32) {
    %c0_i32 = arith.constant 0 : i32
    %c0_i32_0 = arith.constant 0 : i32
    %c0_i32_1 = arith.constant 0 : i32
    return %c0_i32, %c0_i32_0 : i32, i32
  }
  func.func @transform_5(%arg0: i32) -> i32 {
    %c0_i32 = arith.constant 0 : i32
    %c0_i32_0 = arith.constant 0 : i32
    return %c0_i32 : i32
  }
  func.func @transform_6(%arg0: i32) -> (i32, i32) {
    %c0_i32 = arith.constant 0 : i32
    %c0_i32_0 = arith.constant 0 : i32
    return %arg0, %c0_i32 : i32, i32
  }
}

</mosaic_0001>

<sc_bundles>
// kernel: kernel.10.cloned.1.call-start
scs
__scs_entry_jumppad:
0x0: {  	(pc) =	sbr.rel $0x88, $3  }
0x1: {  	(tag) =	ssettag $0x0;
	lr =	simm.s32 $0x1  }
0x2: {  	[smem:$0x3F9B] =	sst lr;
	_ =	strace $0xD0000000  }
0x3: {  	_ = 	snop  }
0x4: {  	_ = 	snop  }
0x5: {  	_ = 	snop  }
0x6: {  	_ = 	snop  }
0x7: {  	_ = 	snop  }
__scs_overlays_trampoline_lowered:
0x8: {  	[smem:$0x3FAA] =	sst s0  }
0x9: {  	[smem:$0x3FAB] =	sst s1  }
0xa: {  	[smem:$0x3FAC] =	sst s2  }
0xb: {  	[smem:$0x3FAD] =	sst s3  }
0xc: {  	[smem:$0x3FAE] =	sst s4  }
0xd: {  	[smem:$0x3FAF] =	sst s5  }
0xe: {  	[smem:$0x3FB0] =	sst s6  }
0xf: {  	[smem:$0x3FB1] =	sst s7  }
0x10: {  	[smem:$0x3FB2] =	sst s8  }
0x11: {  	[smem:$0x3FB3] =	sst s9;
	s0 =	simm.s32 @!p0 $0x0  }
0x12: {  	s1 =	sld [smem:$0x3F99];
	s0 =	simm.s32 @p0 $0x1  }
0x13: {  	[smem:$0x3FB4] =	sst s0;
	s0 =	simm.s32 @!p1 $0x0  }
0x14: {  	s2 =	sld [smem:$0x3F98];
	s0 =	simm.s32 @p1 $0x1  }
0x15: {  	[smem:$0x3FB5] =	sst s0;
	s0 =	simm.s32 @!p2 $0x0  }
0x16: {  	s3 =	sld [smem:$0x3FDB];
	s0 =	simm.s32 @p2 $0x1  }
0x17: {  	s4 =	simm.s32 $0x1BF5;
	[smem:$0x3FB7] =	sst s0  }
0x18: {  	s0 =	sld [smem:$0x3F9A];
	_ =	swait.ge [sflag:s4], $0x0  }
0x19: {  	s7 =	sld [smem:$0x3F9B]  }
0x1a: {  	s8 =	sadd.s32 $0xFFFFE003, lr  }
0x1b: {  	s9 =	sadd.s32 $0xFFFFFEF7, lr;
	s5 =	simm.s32 $0xFFFFFFFF;
	p2 =	slt.u32 s8, $0xFFFFF086  }
0x1c: {  	p1 =	slt.u32 s9, $0xF7A;
	s5 =	simm.s32 @!p2 $0x0  }
0x1d: {  	s5 =	simm.s32 @p1 $0x1;
	p0 =	seq.s32 s7, s2  }
0x1e: {  	s7 =	smul.u32 @!p0 $0xF7A, s2;
	p2 =	seq.s32 @!p0 s5, $0x0  }
0x1f: {  	s9 =	smul.u32 $0xF7A, s1;
	s8 =	simm.s32 @!p0 $0x1BF5;
	p2 =	por !p2, p0  }
0x20: {  	[sflag:s8] =	ssyncset.s32 @!p0 $0xFFFFF086;
	s6 =	sadd.s32 @!p0 s3, s7;
	s7 =	simm.s32 @!p0 $0x108  }
0x21: {  	s3 =	sadd.s32 s3, s9;
	s6 =	sadd.s32 @!p0 $0x88, s6;
	s7 =	simm.s32 @p2 $0x1082  }
0x22: {  	[simem:s7], [sflag:s8] =	dma.local @!p0 [hbm:s6], $0xF7A  }
0x23: {  	s9 =	sor.u32 $0xD0000000, s2;
	s6 =	simm.s32 $0x108;
	_ =	swait.ge @!p0 [sflag:s8], $0x0  }
0x24: {  	s3 =	sadd.s32 $0x88, s3;
	s6 =	simm.s32 @!p1 $0x1082;
	[sflag:s4] =	ssyncset.s32 $0xFFFFF086  }
0x25: {  	[simem:s6], [sflag:s4] =	dma.local [hbm:s3], $0xF7A  }
0x26: {  	[smem:$0x3F9B] =	sst s1;
	(tag) =	ssettag s2;
	_ =	strace s9  }
0x27: {  	s1 =	sld [smem:$0x3FAB]  }
0x28: {  	s2 =	sld [smem:$0x3FAC]  }
0x29: {  	s4 =	sld [smem:$0x3FAE]  }
0x2a: {  	p0 =	seq.s32 s5, $0x0;
	s5 =	sld [smem:$0x3FAF]  }
0x2b: {  	s6 =	sld [smem:$0x3FB0]  }
0x2c: {  	s7 =	sld [smem:$0x3FB1]  }
0x2d: {  	s3 =	simm.s32 $0x108;
	s8 =	sld [smem:$0x3FB2]  }
0x2e: {  	s3 =	simm.s32 @!p0 $0x1082;
	s9 =	sld [smem:$0x3FB3]  }
0x2f: {  	lr =	sadd.s32 s0, s3;
	s0 =	sld [smem:$0x3FAA]  }
0x30: {  	s3 =	sld [smem:$0x3FAD]  }
0x31: {  	[smem:$0x3FB6] =	sst s10  }
0x32: {  	s10 =	sld [smem:$0x3FB4];
	_ =	sdelay $0x3  }
0x33: {  	p0 =	seq.s32 s10, $0x1;
	s10 =	sld [smem:$0x3FB6];
	_ =	sdelay $0x3  }
0x34: {  	[smem:$0x3FB6] =	sst s10  }
0x35: {  	s10 =	sld [smem:$0x3FB5];
	_ =	sdelay $0x3  }
0x36: {  	p1 =	seq.s32 s10, $0x1;
	s10 =	sld [smem:$0x3FB6];
	_ =	sdelay $0x3  }
0x37: {  	[smem:$0x3FB6] =	sst s10  }
0x38: {  	s10 =	sld [smem:$0x3FB7]  }
0x39: {  	_ = 	snop;
	(pc) =	sbr.ind lr, $3  }
0x3a: {  	_ = 	snop  }
0x3b: {  	_ = 	snop  }
0x3c: {  	p2 =	seq.s32 s10, $0x1;
	s10 =	sld [smem:$0x3FB6]  }
0x3d: {  	_ =	shalt  }
0x3e: {  	_ =	shalt  }
0x3f: {  	_ =	shalt  }
0x40: {  	_ =	shalt  }
0x41: {  	_ =	shalt  }
0x42: {  	_ =	shalt  }
0x43: {  	_ =	shalt  }
0x44: {  	_ =	shalt  }
0x45: {  	_ =	shalt  }
0x46: {  	_ =	shalt  }
0x47: {  	_ =	shalt  }
0x48: {  	_ =	shalt  }
0x49: {  	_ =	shalt  }
0x4a: {  	_ =	shalt  }
0x4b: {  	_ =	shalt  }
0x4c: {  	_ =	shalt  }
0x4d: {  	_ =	shalt  }
0x4e: {  	_ =	shalt  }
0x4f: {  	_ =	shalt  }
0x50: {  	_ =	shalt  }
0x51: {  	_ =	shalt  }
0x52: {  	_ =	shalt  }
0x53: {  	_ =	shalt  }
0x54: {  	_ =	shalt  }
0x55: {  	_ =	shalt  }
0x56: {  	_ =	shalt  }
0x57: {  	_ =	shalt  }
0x58: {  	_ =	shalt  }
0x59: {  	_ =	shalt  }
0x5a: {  	_ =	shalt  }
0x5b: {  	_ =	shalt  }
0x5c: {  	_ =	shalt  }
0x5d: {  	_ =	shalt  }
0x5e: {  	_ =	shalt  }
0x5f: {  	_ =	shalt  }
0x60: {  	_ =	shalt  }
0x61: {  	_ =	shalt  }
0x62: {  	_ =	shalt  }
0x63: {  	_ =	shalt  }
0x64: {  	_ =	shalt  }
0x65: {  	_ =	shalt  }
0x66: {  	_ =	shalt  }
0x67: {  	_ =	shalt  }
0x68: {  	_ =	shalt  }
0x69: {  	_ =	shalt  }
0x6a: {  	_ =	shalt  }
0x6b: {  	_ =	shalt  }
0x6c: {  	_ =	shalt  }
0x6d: {  	_ =	shalt  }
0x6e: {  	_ =	shalt  }
0x6f: {  	_ =	shalt  }
0x70: {  	_ =	shalt  }
0x71: {  	_ =	shalt  }
0x72: {  	_ =	shalt  }
0x73: {  	_ =	shalt  }
0x74: {  	_ =	shalt  }
0x75: {  	_ =	shalt  }
0x76: {  	_ =	shalt  }
0x77: {  	_ =	shalt  }
0x78: {  	_ =	shalt  }
0x79: {  	_ =	shalt  }
0x7a: {  	_ =	shalt  }
0x7b: {  	_ =	shalt  }
0x7c: {  	_ =	shalt  }
0x7d: {  	_ =	shalt  }
0x7e: {  	_ =	shalt  }
0x7f: {  	_ =	shalt  }
0x80: {  	_ =	shalt  }
0x81: {  	_ =	shalt  }
0x82: {  	_ =	shalt  }
0x83: {  	_ =	shalt  }
0x84: {  	_ =	shalt  }
0x85: {  	_ =	shalt  }
0x86: {  	_ =	shalt  }
0x87: {  	_ =	shalt  }
.Lfunc_end0:
.L_simem_size_0:
called_computation.1_lowered:
.L_overlay_start_0:
0x88: {  	s2 =	sld [smem:$0x3FD9]  }
0x89: {  	s3 =	sld [smem:$0x3FFE];
	_ =	sdelay $0x1  }
0x8a: {  	s1 =	srdreg.scid  }
0x8b: {  	s0 =	sand.u32 $0x1, s1  }
0x8c: {  	s16 =	sshll.u32 s0, $0xA;
	s2 =	sadd.s32 s3, s2  }
0x8d: {  	s2 =	sadd.s32 s2, s16  }
0x8e: {  	[smem:$0x3FC2] =	sst s2  }
0x8f: {  	_ = 	snop  }
0x90: {  	(tm) =	ssettm $0x1  }
0x91: {  	s17 =	sld [smem:$0x3FFB];
	_ =	sdelay $0x3  }
0x92: {  	_ =	strace s17  }
0x93: {  	s2 =	sld [smem:$0x3FFC];
	_ =	sdelay $0x3  }
0x94: {  	_ =	strace s2  }
0x95: {  	s2 =	sld [smem:$0x3FFD];
	_ =	sdelay $0x3  }
0x96: {  	_ =	strace s2  }
0x97: {  	_ =	strace $0x8FFFFFFF  }
0x98: {  	s18 =	sld [smem:$0x3FDB];
	_ =	sdelay $0x1  }
0x99: {  	s19 =	simm.s32 $_scs_section_size  }
0x9a: {  	s4 =	simm.s32 $_size__tile_overlayer_lowered;
	s5 =	simm.s32 $_tile_overlayer_lowered  }
0x9b: {  	s22 =	simm.s32 $0x1BFF;
	s21 =	sshll.u32 s5, $0x1;
	s2 =	sadd.s32 s19, s18  }
0x9c: {  	s6 =	simm.s32 $0x0;
	s20 =	sshll.u32 s4, $0x1;
	s4 =	sadd.s32 s21, s2  }
0x9d: {  	[timem:s6], [sflag:s22] =	dma.local [hbm:s4], s20  }
0x9e: {  	_ =	swait.ge [sflag:s22], s20  }
0x9f: {  	s3 =	ssub.s32 $0x0, s20;
	[sflag:s22] =	ssyncset.done $0x0  }
0xa0: {  	[sflag:s22] =	ssyncadd.s32 s3;
	_ =	sdelay $0x1  }
0xa1: {  	s23 =	simm.s32 $0x1B8B  }
0xa2: {  	_ =	swait.ge [sflag:s23], $0x1  }
0xa3: {  	[sflag:s23] =	ssyncset.done $0x0  }
0xa4: {  	s25 =	simm.s32 $0x1B8E;
	s24 =	sld [smem:$0x3FFE];
	[sflag:s23] =	ssyncadd.s32 $0xFFFFFFFF  }
0xa5: {  	s26 =	simm.s32 $execute0_lowered;
	[smem:$0x3FD2] =	sst s25  }
0xa6: {  	s4 =	sshll.u32 s26, $0x1;
	_ =	strace $0x80000049;
	[dreg:$0x1] =	wrdreg $0xFFFFFFFF  }
0xa7: {  	s28 =	simm.s32 $_size_execute0_lowered;
	s2 =	sadd.s32 s2, s4;
	[dreg:$0x0] =	wrdreg $0x0  }
0xa8: {  	s4 =	sshll.u32 s28, $0x1;
	[dreg:$0x2] =	wrdreg s2  }
0xa9: {  	[dreg:$0x3] =	wrdreg s4  }
0xaa: {  	[dreg:$0x4] =	wrdreg $0xC0  }
0xab: {  	_ =	task [dreg:s6], $0x5FFFF  }
0xac: {  	[dreg:$0x1] =	wrdreg $0xFFFFFFFF  }
0xad: {  	[dreg:$0x0] =	wrdreg $0x60  }
0xae: {  	[dreg:$0x2] =	wrdreg s24  }
0xaf: {  	[dreg:$0x3] =	wrdreg $0x90000  }
0xb0: {  	[dreg:$0x4] =	wrdreg $0x9  }
0xb1: {  	_ =	task.clear_ibuf [dreg:s6], $0x5FFFF;
	_ =	strace $0x90000049  }
0xb2: {  	s29 =	simm.s32 $0x9;
	_ =	strace $0x8000004B  }
0xb3: {  	_ =	swait.ge [sflag:s29], $0x1  }
0xb4: {  	[sflag:s29] =	ssyncadd.s32 $0xFFFFFFFF  }
0xb5: {  	_ =	strace $0x9000004B  }
0xb6: {  	_ =	sfence  }
0xb7: {  	s30 =	sld [smem:$0x0];
	_ =	sdelay $0x2  }
0xb8: {  	s31 =	sshll.u32 s1, $0xD;
	s1 =	sshrl.u32 s1, $0x2  }
0xb9: {  	s3 =	sand.u32 $0x4000, s31;
	s1 =	sadd.s32 s1, s30  }
0xba: {  	s0 =	sor.u32 s3, s0;
	s1 =	sshll.u32 s1, $0x11  }
0xbb: {  	s0 =	sor.u32 s1, s0  }
0xbc: {  	s0 =	sadd.s32 $0x8F2B, s0  }
0xbd: {  	[sflag:s0] =	ssyncadd.remote.s32 $0x1  }
0xbe: {  	_ =	sfence.sel $0xFFFF  }
0xbf: {  	[dreg:$0x0] =	wrdreg $0xFFFFFFFF;
	(pc) =	sbr.abs _section_cstart, $3  }
0xc0: {  	[dreg:$0x1] =	wrdreg $0xFFFFFFFF  }
0xc1: {  	_ =	task.clear_ibuf [dreg:s6], $0x2FFFF;
	_ =	strace $0x9FFFFFFF  }
0xc2: {  	(tm) =	ssettm $0x7FFFFFFF  }
0xc3: {  	_ =	shalt  }
tec
execute0_lowered:
.L_overlay_start_1:
0x0: {  	(tag) =	ssettag $0x1  }
0x1: {  	s6 =	rddreg [dreg:$0x0]  }
0x2: {  	s0 =	srdreg.scid;
	s2 =	rddreg [dreg:$0x1]  }
0x3: {  	s3 =	simm.s32 $0x0;
	s14 =	simm.s32 $0x80;
	s5 =	sand.u32 $0x1, s0  }
0x4: {  	s15 =	simm.s32 $0x5000;
	s0 =	stileid.u32;
	s8 =	smul.u32 $0x138800, s5  }
0x5: {  	s16 =	simm.s32 $0x1;
	s17 =	simm.s32 $0x0;
	s9 =	smul.u32 $0x1F400, s0  }
0x6: {  	[smem:$0x7FF] =	sst s3;
	s4 =	sadd.s32 $0x1400, s6;
	s10 =	smul.u32 $0x3E80, s0  }
0x7: {  	s1 =	sshll.u32 s5, $0x4;
	s5 =	ssub.s32 $0x2, s5;
	s30 =	smul.u32 $0x7D000, s0  }
0x8: {  	p0 =	sgt.u32 s0, $0x9;
	s1 =	sor.u32 s0, s1;
	s31 =	sshrl.u32 s5, $0x1  }
0x9: {  	s12 =	sshll.u32 @!p0 s0, $0x6;
	s7 =	smul.u32 $0x500, s1;
	s1 =	rddreg [dreg:$0x2]  }
0xa: {  	_ =	strace $0x8000004A;
	s8 =	sadd.s32 s9, s8;
	s10 =	sadd.s32 s10, s6  }
0xb: {  	s11 =	ssub.s32 s5, s31;
	s9 =	sshrl.u32 s30, $0x2;
	s12 =	sor.u32 @!p0 $0x1C02, s12  }
0xc: {  	s8 =	sshrl.u32 s8, $0x3;
	s13 =	sadd.s32 s9, s2;
	s9 =	smax.u32 s11, $0x1  }
0xd: {  	s11 =	simm.s32 $0x2800;
	s7 =	sadd.s32 s7, s6;
	s8 =	sadd.s32 s8, s6  }
0xe: {  	s13 =	sshrl.u32 @!p0 s13, $0x3;
	s5 =	sadd.s32 $0x5BC00, s7;
	s6 =	sadd.s32 $0x65C00, s7  }
0xf: {  	s7 =	sadd.s32 $0x28600, s10;
	s8 =	sadd.s32 $0x6FC00, s8;
	s10 =	simm.s32 $0x2  }
.LBB2_1:
0x10: {  	[tilespmem:s3], [sflag:$0x2] =	stream.linear.gather [hbm4b:s5+s3], $0x2800, $0x38;
	[tilespmem:$0x1C900] =	vst v63  }
0x11: {  	_ =	swait.ge [sflag:s10], $0x2800  }
0x12: {  	[sflag:s10] =	ssyncset.done $0x0  }
0x13: {  	[sflag:s10] =	ssyncadd.s32 $0xFFFFD800  }
0x14: {  	[tilespmem:s11], [sflag:$0x2] =	stream.linear.gather [hbm4b:s6+s3], $0x2800, $0x38;
	[tilespmem:$0x1C900] =	vst v63  }
0x15: {  	_ =	swait.ge [sflag:s10], $0x2800  }
0x16: {  	[sflag:s10] =	ssyncset.done $0x0  }
0x17: {  	s18 =	simm.s32 @!p0 $0x2;
	[sflag:s10] =	ssyncadd.s32 $0xFFFFD800  }
0x18: {  	[spmem:s13], [sflag:s12] =	dma.local @!p0 [hbm:s7], $0x3E80  }
0x19: {  	_ =	swait.ge @!p0 [sflag:s18], $0x3E80  }
0x1a: {  	[sflag:s18] =	ssyncset.done @!p0 $0x0  }
0x1b: {  	[sflag:s18] =	ssyncadd.s32 @!p0 $0xFFFFC180  }
0x1c: {  	s30 =	simm.s32 $0x2800;
	[bflag:$0x0] =	sbarrier.arrive $0xFFFF  }
0x1d: {  	[tilespmem:s15], [sflag:$0x1] =	stream.indirect.gather [hbm4b:s4+s14], $0x80, s30, s14, $0xb8;
	[tilespmem:$0x1C900] =	vst v63  }
0x1e: {  	_ =	swait.ge [sflag:s16], $0x4000  }
0x1f: {  	[sflag:s16] =	ssyncset.done $0x0  }
0x20: {  	s31 =	simm.s32 $0x0;
	[sflag:s16] =	ssyncadd.s32 $0xFFFFC000  }
0x21: {  	[spmem:s2] =	stream.indirect.scatter.add.f32 [tilespmem:s15], [sflag:$0x2], $0x80, s31, s14, $0xb8;
	[tilespmem:$0x1C900] =	vst v63  }
0x22: {  	_ =	swait.ge [sflag:s10], $0x4000  }
0x23: {  	s19 =	simm.s32 $0x400;
	s18 =	simm.s32 $0x80;
	[sflag:s10] =	ssyncset.done $0x0  }
.LBB2_2:
0x24: {  	s20 =	sadd.s32 $0x2800, s18  }
0x25: {  	[sflag:s10] =	ssyncadd.s32 $0xFFFFC000;
	s21 =	smov.u32 s19;
	s22 =	sadd.s32 $0x200, s19  }
0x26: {  	[tilespmem:s15], [sflag:$0x1] =	stream.indirect.gather [hbm4b:s4+s14], $0x80, s20, s14, $0xb8;
	[tilespmem:$0x1C900] =	vst v63  }
0x27: {  	p1 =	sne.s32 s19, $0x9E00;
	_ =	swait.ge [sflag:s16], $0x4000  }
.Ltmp0:
0x28: {  	[sflag:s16] =	ssyncset.done $0x0;
	(pc) =	sbr.rel @p1 .LBB2_2-.Ltmp0, $4  }
0x29: {  	[sflag:s16] =	ssyncadd.s32 $0xFFFFC000  }
0x2a: {  	[spmem:s2] =	stream.indirect.scatter.add.f32 [tilespmem:s15], [sflag:$0x2], $0x80, s18, s14, $0xb8;
	[tilespmem:$0x1C900] =	vst v63  }
0x2b: {  	_ =	swait.ge [sflag:s10], $0x4000  }
0x2c: {  	s19 =	smov.u32 s22;
	s18 =	sshra.s32 s21, $0x2;
	[sflag:s10] =	ssyncset.done $0x0  }
0x2d: {  	s19 =	sadd.s32 $0x2800, s18;
	[sflag:s10] =	ssyncadd.s32 $0xFFFFC000  }
0x2e: {  	[tilespmem:s15], [sflag:$0x1] =	stream.indirect.gather [hbm4b:s4+s14], $0x80, s19, s14, $0xb8;
	[tilespmem:$0x1C900] =	vst v63  }
0x2f: {  	_ =	swait.ge [sflag:s16], $0x4000  }
0x30: {  	[sflag:s16] =	ssyncset.done $0x0  }
0x31: {  	[sflag:s16] =	ssyncadd.s32 $0xFFFFC000  }
0x32: {  	[spmem:s2] =	stream.indirect.scatter.add.f32 [tilespmem:s15], [sflag:$0x2], $0x80, s18, s14, $0xb8;
	[tilespmem:$0x1C900] =	vst v63  }
0x33: {  	_ =	swait.ge [sflag:s10], $0x4000  }
0x34: {  	s17 =	sadd.s32 $0x1, s17;
	[sflag:s10] =	ssyncset.done $0x0  }
0x35: {  	p1 =	sne.s32 s17, s9;
	[sflag:s10] =	ssyncadd.s32 $0xFFFFC000  }
.Ltmp1:
0x36: {  	s18 =	simm.s32 @!p0 $0x2;
	[bflag:$0x0] =	sbarrier.arrive $0xFFFF;
	(pc) =	sbr.rel @p1 .LBB2_1-.Ltmp1, $4  }
0x37: {  	[hbm:s8], [sflag:s12] =	dma.local @!p0 [spmem:s13], $0x3E80  }
0x38: {  	_ =	swait.ge @!p0 [sflag:s18], $0x3E80  }
0x39: {  	[sflag:s18] =	ssyncset.done @!p0 $0x0  }
0x3a: {  	[sflag:s18] =	ssyncadd.s32 @!p0 $0xFFFFC180  }
0x3b: {  	_ =	sfence.sel $0x180000  }
0x3c: {  	[bflag:$0x0] =	sbarrier.arrive $0xFFFF  }
0x3d: {  	p0 =	sne.s32 s0, $0x0;
	_ =	strace $0x9000004A  }
0x3e: {  	s0 =	sadd.s32 @!p0 $0x100000, s1;
	[bflag:$0x2] =	sbarrier.arrive $0xFFFF  }
0x3f: {  	[sflag:s0] =	ssyncadd.tile.s32 @!p0 $0x1;
	_ =	shalt  }
.Lfunc_end2:
_tile_overlayer_lowered:
.L_overlay_start_2:
0x40: {  	(tag) =	ssettag $0x2  }
0x41: {  	s0 =	rddreg [dreg:$0x0];
	s2 =	stileid.u32  }
0x42: {  	s1 =	rddreg [dreg:$0x1];
	p0 =	sne.s32 s2, $0x0  }
0x43: {  	s3 =	rddreg [dreg:$0x2];
	[bflag:$0x3] =	sbarrier.arrive $0xFFFF;
	s2 =	simm.s32 @!p0 $0x1C02  }
0x44: {  	[timem:s3], [sflag:s2] =	dma.local @!p0 [hbm:s0], s1  }
0x45: {  	s0 =	simm.s32 @!p0 $0x2  }
0x46: {  	_ =	swait.ge @!p0 [sflag:s0], s1  }
0x47: {  	s1 =	ssub.s32 @!p0 $0x0, s1;
	[sflag:s0] =	ssyncset.done @!p0 $0x0  }
0x48: {  	[sflag:s0] =	ssyncadd.s32 @!p0 s1  }
0x49: {  	[bflag:$0x3] =	sbarrier.arrive $0xFFFF  }
0x4a: {  	_ =	shalt  }

// kernel: kernel.7.cloned.1.call-start
scs
__scs_entry_jumppad:
0x0: {  	(pc) =	sbr.rel $0x88, $3  }
0x1: {  	(tag) =	ssettag $0x0;
	lr =	simm.s32 $0x1  }
0x2: {  	[smem:$0x3F9B] =	sst lr;
	_ =	strace $0xD0000000  }
0x3: {  	_ = 	snop  }
0x4: {  	_ = 	snop  }
0x5: {  	_ = 	snop  }
0x6: {  	_ = 	snop  }
0x7: {  	_ = 	snop  }
__scs_overlays_trampoline_lowered:
0x8: {  	[smem:$0x3FAA] =	sst s0  }
0x9: {  	[smem:$0x3FAB] =	sst s1  }
0xa: {  	[smem:$0x3FAC] =	sst s2  }
0xb: {  	[smem:$0x3FAD] =	sst s3  }
0xc: {  	[smem:$0x3FAE] =	sst s4  }
0xd: {  	[smem:$0x3FAF] =	sst s5  }
0xe: {  	[smem:$0x3FB0] =	sst s6  }
0xf: {  	[smem:$0x3FB1] =	sst s7  }
0x10: {  	[smem:$0x3FB2] =	sst s8  }
0x11: {  	[smem:$0x3FB3] =	sst s9;
	s0 =	simm.s32 @!p0 $0x0  }
0x12: {  	s1 =	sld [smem:$0x3F99];
	s0 =	simm.s32 @p0 $0x1  }
0x13: {  	[smem:$0x3FB4] =	sst s0;
	s0 =	simm.s32 @!p1 $0x0  }
0x14: {  	s2 =	sld [smem:$0x3F98];
	s0 =	simm.s32 @p1 $0x1  }
0x15: {  	[smem:$0x3FB5] =	sst s0;
	s0 =	simm.s32 @!p2 $0x0  }
0x16: {  	s3 =	sld [smem:$0x3FDB];
	s0 =	simm.s32 @p2 $0x1  }
0x17: {  	s4 =	simm.s32 $0x1BF5;
	[smem:$0x3FB7] =	sst s0  }
0x18: {  	s0 =	sld [smem:$0x3F9A];
	_ =	swait.ge [sflag:s4], $0x0  }
0x19: {  	s7 =	sld [smem:$0x3F9B]  }
0x1a: {  	s8 =	sadd.s32 $0xFFFFE003, lr  }
0x1b: {  	s9 =	sadd.s32 $0xFFFFFEF7, lr;
	s5 =	simm.s32 $0xFFFFFFFF;
	p2 =	slt.u32 s8, $0xFFFFF086  }
0x1c: {  	p1 =	slt.u32 s9, $0xF7A;
	s5 =	simm.s32 @!p2 $0x0  }
0x1d: {  	s5 =	simm.s32 @p1 $0x1;
	p0 =	seq.s32 s7, s2  }
0x1e: {  	s7 =	smul.u32 @!p0 $0xF7A, s2;
	p2 =	seq.s32 @!p0 s5, $0x0  }
0x1f: {  	s9 =	smul.u32 $0xF7A, s1;
	s8 =	simm.s32 @!p0 $0x1BF5;
	p2 =	por !p2, p0  }
0x20: {  	[sflag:s8] =	ssyncset.s32 @!p0 $0xFFFFF086;
	s6 =	sadd.s32 @!p0 s3, s7;
	s7 =	simm.s32 @!p0 $0x108  }
0x21: {  	s3 =	sadd.s32 s3, s9;
	s6 =	sadd.s32 @!p0 $0x88, s6;
	s7 =	simm.s32 @p2 $0x1082  }
0x22: {  	[simem:s7], [sflag:s8] =	dma.local @!p0 [hbm:s6], $0xF7A  }
0x23: {  	s9 =	sor.u32 $0xD0000000, s2;
	s6 =	simm.s32 $0x108;
	_ =	swait.ge @!p0 [sflag:s8], $0x0  }
0x24: {  	s3 =	sadd.s32 $0x88, s3;
	s6 =	simm.s32 @!p1 $0x1082;
	[sflag:s4] =	ssyncset.s32 $0xFFFFF086  }
0x25: {  	[simem:s6], [sflag:s4] =	dma.local [hbm:s3], $0xF7A  }
0x26: {  	[smem:$0x3F9B] =	sst s1;
	(tag) =	ssettag s2;
	_ =	strace s9  }
0x27: {  	s1 =	sld [smem:$0x3FAB]  }
0x28: {  	s2 =	sld [smem:$0x3FAC]  }
0x29: {  	s4 =	sld [smem:$0x3FAE]  }
0x2a: {  	p0 =	seq.s32 s5, $0x0;
	s5 =	sld [smem:$0x3FAF]  }
0x2b: {  	s6 =	sld [smem:$0x3FB0]  }
0x2c: {  	s7 =	sld [smem:$0x3FB1]  }
0x2d: {  	s3 =	simm.s32 $0x108;
	s8 =	sld [smem:$0x3FB2]  }
0x2e: {  	s3 =	simm.s32 @!p0 $0x1082;
	s9 =	sld [smem:$0x3FB3]  }
0x2f: {  	lr =	sadd.s32 s0, s3;
	s0 =	sld [smem:$0x3FAA]  }
0x30: {  	s3 =	sld [smem:$0x3FAD]  }
0x31: {  	[smem:$0x3FB6] =	sst s10  }
0x32: {  	s10 =	sld [smem:$0x3FB4];
	_ =	sdelay $0x3  }
0x33: {  	p0 =	seq.s32 s10, $0x1;
	s10 =	sld [smem:$0x3FB6];
	_ =	sdelay $0x3  }
0x34: {  	[smem:$0x3FB6] =	sst s10  }
0x35: {  	s10 =	sld [smem:$0x3FB5];
	_ =	sdelay $0x3  }
0x36: {  	p1 =	seq.s32 s10, $0x1;
	s10 =	sld [smem:$0x3FB6];
	_ =	sdelay $0x3  }
0x37: {  	[smem:$0x3FB6] =	sst s10  }
0x38: {  	s10 =	sld [smem:$0x3FB7]  }
0x39: {  	_ = 	snop;
	(pc) =	sbr.ind lr, $3  }
0x3a: {  	_ = 	snop  }
0x3b: {  	_ = 	snop  }
0x3c: {  	p2 =	seq.s32 s10, $0x1;
	s10 =	sld [smem:$0x3FB6]  }
0x3d: {  	_ =	shalt  }
0x3e: {  	_ =	shalt  }
0x3f: {  	_ =	shalt  }
0x40: {  	_ =	shalt  }
0x41: {  	_ =	shalt  }
0x42: {  	_ =	shalt  }
0x43: {  	_ =	shalt  }
0x44: {  	_ =	shalt  }
0x45: {  	_ =	shalt  }
0x46: {  	_ =	shalt  }
0x47: {  	_ =	shalt  }
0x48: {  	_ =	shalt  }
0x49: {  	_ =	shalt  }
0x4a: {  	_ =	shalt  }
0x4b: {  	_ =	shalt  }
0x4c: {  	_ =	shalt  }
0x4d: {  	_ =	shalt  }
0x4e: {  	_ =	shalt  }
0x4f: {  	_ =	shalt  }
0x50: {  	_ =	shalt  }
0x51: {  	_ =	shalt  }
0x52: {  	_ =	shalt  }
0x53: {  	_ =	shalt  }
0x54: {  	_ =	shalt  }
0x55: {  	_ =	shalt  }
0x56: {  	_ =	shalt  }
0x57: {  	_ =	shalt  }
0x58: {  	_ =	shalt  }
0x59: {  	_ =	shalt  }
0x5a: {  	_ =	shalt  }
0x5b: {  	_ =	shalt  }
0x5c: {  	_ =	shalt  }
0x5d: {  	_ =	shalt  }
0x5e: {  	_ =	shalt  }
0x5f: {  	_ =	shalt  }
0x60: {  	_ =	shalt  }
0x61: {  	_ =	shalt  }
0x62: {  	_ =	shalt  }
0x63: {  	_ =	shalt  }
0x64: {  	_ =	shalt  }
0x65: {  	_ =	shalt  }
0x66: {  	_ =	shalt  }
0x67: {  	_ =	shalt  }
0x68: {  	_ =	shalt  }
0x69: {  	_ =	shalt  }
0x6a: {  	_ =	shalt  }
0x6b: {  	_ =	shalt  }
0x6c: {  	_ =	shalt  }
0x6d: {  	_ =	shalt  }
0x6e: {  	_ =	shalt  }
0x6f: {  	_ =	shalt  }
0x70: {  	_ =	shalt  }
0x71: {  	_ =	shalt  }
0x72: {  	_ =	shalt  }
0x73: {  	_ =	shalt  }
0x74: {  	_ =	shalt  }
0x75: {  	_ =	shalt  }
0x76: {  	_ =	shalt  }
0x77: {  	_ =	shalt  }
0x78: {  	_ =	shalt  }
0x79: {  	_ =	shalt  }
0x7a: {  	_ =	shalt  }
0x7b: {  	_ =	shalt  }
0x7c: {  	_ =	shalt  }
0x7d: {  	_ =	shalt  }
0x7e: {  	_ =	shalt  }
0x7f: {  	_ =	shalt  }
0x80: {  	_ =	shalt  }
0x81: {  	_ =	shalt  }
0x82: {  	_ =	shalt  }
0x83: {  	_ =	shalt  }
0x84: {  	_ =	shalt  }
0x85: {  	_ =	shalt  }
0x86: {  	_ =	shalt  }
0x87: {  	_ =	shalt  }
.Lfunc_end0:
.L_simem_size_0:
called_computation_lowered:
.L_overlay_start_0:
0x88: {  	s2 =	sld [smem:$0x3FD9]  }
0x89: {  	s3 =	sld [smem:$0x3FFE];
	_ =	sdelay $0x1  }
0x8a: {  	s1 =	srdreg.scid  }
0x8b: {  	s0 =	sand.u32 $0x1, s1  }
0x8c: {  	s16 =	sshll.u32 s0, $0xA;
	s2 =	sadd.s32 s3, s2  }
0x8d: {  	s2 =	sadd.s32 s2, s16  }
0x8e: {  	[smem:$0x3FC2] =	sst s2  }
0x8f: {  	_ = 	snop  }
0x90: {  	(tm) =	ssettm $0x1  }
0x91: {  	s17 =	sld [smem:$0x3FFB];
	_ =	sdelay $0x3  }
0x92: {  	_ =	strace s17  }
0x93: {  	s2 =	sld [smem:$0x3FFC];
	_ =	sdelay $0x3  }
0x94: {  	_ =	strace s2  }
0x95: {  	s2 =	sld [smem:$0x3FFD];
	_ =	sdelay $0x3  }
0x96: {  	_ =	strace s2  }
0x97: {  	_ =	strace $0x8FFFFFFF  }
0x98: {  	s18 =	sld [smem:$0x3FDB];
	_ =	sdelay $0x1  }
0x99: {  	s19 =	simm.s32 $_scs_section_size  }
0x9a: {  	s4 =	simm.s32 $_size__tile_overlayer_lowered;
	s5 =	simm.s32 $_tile_overlayer_lowered  }
0x9b: {  	s22 =	simm.s32 $0x1BFF;
	s21 =	sshll.u32 s5, $0x1;
	s2 =	sadd.s32 s19, s18  }
0x9c: {  	s6 =	simm.s32 $0x0;
	s20 =	sshll.u32 s4, $0x1;
	s4 =	sadd.s32 s21, s2  }
0x9d: {  	[timem:s6], [sflag:s22] =	dma.local [hbm:s4], s20  }
0x9e: {  	_ =	swait.ge [sflag:s22], s20  }
0x9f: {  	s3 =	ssub.s32 $0x0, s20;
	[sflag:s22] =	ssyncset.done $0x0  }
0xa0: {  	[sflag:s22] =	ssyncadd.s32 s3;
	_ =	sdelay $0x1  }
0xa1: {  	s23 =	simm.s32 $0x1B8B  }
0xa2: {  	_ =	swait.ge [sflag:s23], $0x1  }
0xa3: {  	[sflag:s23] =	ssyncset.done $0x0  }
0xa4: {  	s25 =	simm.s32 $0x1B8E;
	s24 =	sld [smem:$0x3FFE];
	[sflag:s23] =	ssyncadd.s32 $0xFFFFFFFF  }
0xa5: {  	s26 =	simm.s32 $execute0_lowered;
	[smem:$0x3FD2] =	sst s25  }
0xa6: {  	s4 =	sshll.u32 s26, $0x1;
	_ =	strace $0x80000046;
	[dreg:$0x1] =	wrdreg $0xFFFFFFFF  }
0xa7: {  	s28 =	simm.s32 $_size_execute0_lowered;
	s2 =	sadd.s32 s2, s4;
	[dreg:$0x0] =	wrdreg $0x0  }
0xa8: {  	s4 =	sshll.u32 s28, $0x1;
	[dreg:$0x2] =	wrdreg s2  }
0xa9: {  	[dreg:$0x3] =	wrdreg s4  }
0xaa: {  	[dreg:$0x4] =	wrdreg $0xC0  }
0xab: {  	_ =	task [dreg:s6], $0x5FFFF  }
0xac: {  	[dreg:$0x1] =	wrdreg $0xFFFFFFFF  }
0xad: {  	[dreg:$0x0] =	wrdreg $0x60  }
0xae: {  	[dreg:$0x2] =	wrdreg s24  }
0xaf: {  	[dreg:$0x3] =	wrdreg $0x9  }
0xb0: {  	_ =	task.clear_ibuf [dreg:s6], $0x4FFFF;
	_ =	strace $0x90000046  }
0xb1: {  	s29 =	simm.s32 $0x9;
	_ =	strace $0x80000048  }
0xb2: {  	_ =	swait.ge [sflag:s29], $0x1  }
0xb3: {  	[sflag:s29] =	ssyncadd.s32 $0xFFFFFFFF  }
0xb4: {  	_ =	strace $0x90000048  }
0xb5: {  	_ =	sfence  }
0xb6: {  	s30 =	sld [smem:$0x0];
	_ =	sdelay $0x2  }
0xb7: {  	s31 =	sshll.u32 s1, $0xD;
	s1 =	sshrl.u32 s1, $0x2  }
0xb8: {  	s3 =	sand.u32 $0x4000, s31;
	s1 =	sadd.s32 s1, s30  }
0xb9: {  	s0 =	sor.u32 s3, s0;
	s1 =	sshll.u32 s1, $0x11  }
0xba: {  	s0 =	sor.u32 s1, s0  }
0xbb: {  	s0 =	sadd.s32 $0x8F2B, s0  }
0xbc: {  	[sflag:s0] =	ssyncadd.remote.s32 $0x1  }
0xbd: {  	_ =	sfence.sel $0xFFFF  }
0xbe: {  	[dreg:$0x0] =	wrdreg $0xFFFFFFFF;
	(pc) =	sbr.abs _section_cstart, $3  }
0xbf: {  	[dreg:$0x1] =	wrdreg $0xFFFFFFFF  }
0xc0: {  	_ =	task.clear_ibuf [dreg:s6], $0x2FFFF;
	_ =	strace $0x9FFFFFFF  }
0xc1: {  	(tm) =	ssettm $0x7FFFFFFF  }
tec
execute0_lowered:
.L_overlay_start_1:
0x0: {  	(tag) =	ssettag $0x1  }
0x1: {  	s0 =	srdreg.scid  }
0x2: {  	s4 =	rddreg [dreg:$0x0];
	s3 =	sand.u32 $0x1, s0  }
0x3: {  	s2 =	simm.s32 $0x0;
	s0 =	stileid.u32;
	s1 =	sshll.u32 s3, $0x4  }
0x4: {  	s8 =	simm.s32 $0x400;
	s9 =	simm.s32 $0x1;
	s1 =	sor.u32 s0, s1  }
0x5: {  	s10 =	simm.s32 $0x2780;
	s11 =	simm.s32 $0x0;
	s5 =	sshrl.u32 s1, $0x3  }
0x6: {  	[smem:$0x7FF] =	sst s2;
	s6 =	sshll.u32 s0, $0x7;
	s7 =	smul.u32 $0x13C00, s5  }
0x7: {  	s30 =	ssub.s32 $0x2, s3;
	s6 =	sand.u32 $0x380, s6;
	s5 =	smul.u32 $0x9C400, s5  }
0x8: {  	s3 =	sadd.s32 $0xB200, s4;
	s31 =	sshrl.u32 s30, $0x1;
	s7 =	sor.u32 s6, s7  }
0x9: {  	s1 =	rddreg [dreg:$0x1];
	s5 =	sor.u32 s6, s5;
	s7 =	sshrl.u32 s7, $0x3  }
0xa: {  	v0 =	vlaneseq.u32;
	_ =	strace $0x80000047;
	s5 =	sshrl.u32 s5, $0x3;
	s29 =	sadd.s32 s7, s4  }
0xb: {  	v0 =	vand.u32 $0x7, v0;
	s5 =	sadd.s32 s5, s4;
	s7 =	ssub.s32 s30, s31;
	s4 =	sadd.s32 $0x1400, s29  }
0xc: {  	v1 =	vimm.f32 $1.000000000e+00;
	vm0 =	vcmask $0x3F20;
	v0 =	vmul.u32 $0x2710, v0;
	s5 =	sadd.s32 $0xDA00, s5;
	s6 =	smax.u32 s7, $0x1;
	s7 =	simm.s32 $0x80  }
.LBB2_1:
0xd: {  	[tilespmem:s2], [sflag:$0x1] =	stream.strided.gather [hbm4b:s4+s7], $0x2780, s8, s7, $0x38;
	[tilespmem:$0x16000] =	vst v63  }
0xe: {  	_ =	swait.ge [sflag:s9], $0x2780  }
0xf: {  	[sflag:s9] =	ssyncset.done $0x0  }
0x10: {  	[sflag:s9] =	ssyncadd.s32 $0xFFFFD880  }
0x11: {  	[tilespmem:s10], [sflag:$0x1] =	stream.linear.gather [hbm4b:s3+s2], $0x13880, $0x38;
	[tilespmem:$0x16000] =	vst v63  }
0x12: {  	_ =	swait.ge [sflag:s9], $0x13880  }
0x13: {  	[sflag:s9] =	ssyncset.done $0x0  }
0x14: {  	s12 =	simm.s32 $0x0;
	[sflag:s9] =	ssyncadd.s32 $0xFFFEC780  }
0x15: {  	v2 =	vld [tilespmem:s12+$0x0];
	s12 =	simm.s32 $0x40  }
.LBB2_2:
0x16: {  	p0 =	sne.s32 s12, $0x9C00;
	_ =	sdelay $0x3  }
0x17: {  	v2 =	vadd.s32 v0, v2;
	_ =	sdelay $0x2  }
.Ltmp0:
0x18: {  	(pc) =	sbr.rel @p0 .LBB2_2-.Ltmp0, $4  }
0x19: {  	_ = 	snop  }
0x1a: {  	[tilespmem:v2+s10+$0x0] =	vst.idx.add.f32.msk $0xff, v1  }
0x1b: {  	s13 =	sshra.s32 s12, $0x2;
	[tilespmem:v2+s10+$0x0] =	vst.idx.add.f32.msk vm0, v1  }
0x1c: {  	s12 =	sadd.s32 $0x40, s12;
	v2 =	vld [tilespmem:s13+$0x0]  }
0x1d: {  	_ =	sdelay $0x3  }
0x1e: {  	v2 =	vadd.s32 v0, v2;
	_ =	sdelay $0x3  }
0x1f: {  	s11 =	sadd.s32 $0x1, s11  }
0x20: {  	p0 =	sne.s32 s11, s6;
	[tilespmem:v2+s10+$0x0] =	vst.idx.add.f32.msk $0xff, v1  }
.Ltmp1:
0x21: {  	[tilespmem:v2+s10+$0x0] =	vst.idx.add.f32.msk vm0, v1;
	(pc) =	sbr.rel @p0 .LBB2_1-.Ltmp1, $4  }
0x22: {  	[hbm4b:s5+s7] =	stream.strided.scatter [tilespmem:s10], [sflag:$0x1], $0x13880, s8, s7, $0x38;
	[tilespmem:$0x16000] =	vst v63  }
0x23: {  	_ =	swait.ge [sflag:s9], $0x13880  }
0x24: {  	[sflag:s9] =	ssyncset.done $0x0  }
0x25: {  	[sflag:s9] =	ssyncadd.s32 $0xFFFEC780  }
0x26: {  	_ =	sfence.sel $0x180000  }
0x27: {  	[bflag:$0x0] =	sbarrier.arrive $0xFFFF  }
0x28: {  	p0 =	sne.s32 s0, $0x0;
	_ =	strace $0x90000047  }
0x29: {  	s0 =	sadd.s32 @!p0 $0x100000, s1;
	[bflag:$0x2] =	sbarrier.arrive $0xFFFF  }
0x2a: {  	[sflag:s0] =	ssyncadd.tile.s32 @!p0 $0x1;
	_ =	shalt  }
.Lfunc_end2:
_tile_overlayer_lowered:
.L_overlay_start_2:
0x2b: {  	(tag) =	ssettag $0x2  }
0x2c: {  	s0 =	rddreg [dreg:$0x0];
	s2 =	stileid.u32  }
0x2d: {  	s1 =	rddreg [dreg:$0x1];
	p0 =	sne.s32 s2, $0x0  }
0x2e: {  	s3 =	rddreg [dreg:$0x2];
	[bflag:$0x3] =	sbarrier.arrive $0xFFFF;
	s2 =	simm.s32 @!p0 $0x1C01  }
0x2f: {  	[timem:s3], [sflag:s2] =	dma.local @!p0 [hbm:s0], s1  }
0x30: {  	s0 =	simm.s32 @!p0 $0x1  }
0x31: {  	_ =	swait.ge @!p0 [sflag:s0], s1  }
0x32: {  	s1 =	ssub.s32 @!p0 $0x0, s1;
	[sflag:s0] =	ssyncset.done @!p0 $0x0  }
0x33: {  	[sflag:s0] =	ssyncadd.s32 @!p0 s1  }
0x34: {  	[bflag:$0x3] =	sbarrier.arrive $0xFFFF  }
0x35: {  	_ =	shalt  }

</sc_bundles>
